<compile_context>
chip_gen: v7x
topology: tpu7x:2x2x1
jax: 0.10.2.dev20260603
libtpu: 0.0.44.dev20260713+nightly
codegen_flags: <defaults>
</compile_context>

<pallas_src>
import functools

import jax
import jax.numpy as jnp
from jax import lax
from jax.experimental import pallas as pl
from jax.experimental.pallas import tpu as pltpu
from jax.experimental.pallas import tpu_sc as plsc

DIM = 768
DEPTH = 2
E = 64
FF = 1024
SEQ = 2048

T = 128
NCH = 80
NCHP = 128
NPAD = 2816
NW = 32


def _make_sc_scatter(d):
    n_per = SEQ // NW

    @functools.partial(
        pl.kernel,
        mesh=plsc.VectorSubcoreMesh(core_axis_name="c", subcore_axis_name="s"),
        out_type=jax.ShapeDtypeStruct((NPAD, d), jnp.float32),
        scratch_types=[
            pltpu.VMEM((n_per,), jnp.int32),
            pltpu.VMEM((n_per, d), jnp.float32),
            pltpu.SemaphoreType.DMA,
        ],
    )
    def scat(src_hbm, idx_hbm, out_hbm, idx_v, rows_v, sem):
        wid = lax.axis_index("s") * 2 + lax.axis_index("c")
        base = wid * n_per
        pltpu.sync_copy(idx_hbm.at[wid], idx_v)
        pltpu.sync_copy(src_hbm.at[pl.ds(base, n_per)], rows_v)
        pltpu.async_copy(rows_v, out_hbm.at[idx_v], sem).wait()

    return scat


def _make_sc_gather(n_out, d):
    n_per = n_out // NW

    @functools.partial(
        pl.kernel,
        mesh=plsc.VectorSubcoreMesh(core_axis_name="c", subcore_axis_name="s"),
        out_type=jax.ShapeDtypeStruct((n_out, d), jnp.float32),
        scratch_types=[
            pltpu.VMEM((n_per,), jnp.int32),
            pltpu.VMEM((n_per, d), jnp.float32),
            pltpu.SemaphoreType.DMA,
        ],
    )
    def gath(table_hbm, idx_hbm, out_hbm, idx_v, rows_v, sem):
        wid = lax.axis_index("s") * 2 + lax.axis_index("c")
        base = wid * n_per
        pltpu.sync_copy(idx_hbm.at[pl.ds(base, n_per)], idx_v)
        pltpu.async_copy(table_hbm.at[idx_v], rows_v, sem).wait()
        pltpu.sync_copy(rows_v, out_hbm.at[pl.ds(base, n_per)])

    return gath


def _route_dispatch(h):
    logits = h
    m = jnp.max(logits, axis=1, keepdims=True)
    lane = lax.broadcasted_iota(jnp.int32, (SEQ, E), 1)
    sel = jnp.min(jnp.where(logits >= m, lane, E), axis=1, keepdims=True)
    onehot = (lane == sel).astype(jnp.float32)
    counts = jnp.sum(onehot, axis=0, keepdims=True)
    r = lax.broadcasted_iota(jnp.int32, (SEQ, SEQ), 0)
    c = lax.broadcasted_iota(jnp.int32, (SEQ, SEQ), 1)
    tril = (c < r).astype(jnp.float32)
    before = jnp.dot(tril, onehot, preferred_element_type=jnp.float32)
    rank = jnp.sum(before * onehot, axis=1, keepdims=True)
    cap = (((counts.astype(jnp.int32) + 7) // 8) * 8).astype(jnp.float32)
    er = lax.broadcasted_iota(jnp.int32, (E, E), 0)
    ec = lax.broadcasted_iota(jnp.int32, (E, E), 1)
    trile = (er < ec).astype(jnp.float32)
    start = jax.lax.dot_general(
        cap, trile, (((1,), (0,)), ((), ())),
        precision=jax.lax.Precision.HIGHEST,
        preferred_element_type=jnp.float32)
    slot = jnp.sum(onehot * start, axis=1, keepdims=True) + rank

    counts_i = counts.astype(jnp.int32)
    capi = cap.astype(jnp.int32)
    nch = jnp.where(counts_i > 0, (capi + T - 1) // T, 0)
    trili = (er <= ec).astype(jnp.float32)
    cum = jax.lax.dot_general(
        nch.astype(jnp.float32), trili, (((1,), (0,)), ((), ())),
        precision=jax.lax.Precision.HIGHEST,
        preferred_element_type=jnp.float32)
    excl = cum - nch.astype(jnp.float32)
    total = jnp.max(cum)
    ii = lax.broadcasted_iota(jnp.int32, (NCHP, E), 0)
    e_arr = jnp.minimum(
        jnp.sum((jnp.broadcast_to(cum, (NCHP, E)) <= ii.astype(jnp.float32))
                .astype(jnp.int32), axis=1, keepdims=True), E - 1)
    lane_c = lax.broadcasted_iota(jnp.int32, (NCHP, E), 1)
    oh_e = (lane_c == e_arr).astype(jnp.float32)
    start_g = jnp.sum(oh_e * start, axis=1, keepdims=True)
    excl_g = jnp.sum(oh_e * excl, axis=1, keepdims=True)
    ii_col = lax.broadcasted_iota(jnp.int32, (NCHP, 1), 0)
    valid = ii_col.astype(jnp.float32) < total
    e_last = jnp.max(jnp.where(valid, e_arr, -1))
    ce = jnp.where(valid, e_arr, e_last)
    cs = jnp.where(valid,
                   (start_g + (ii_col.astype(jnp.float32) - excl_g) * T)
                   .astype(jnp.int32),
                   NPAD - T)
    return slot.astype(jnp.int32), ce, cs


def _route0_body(x_ref, p_ref, w_ref, b_ref, h_ref, slot_ref, ce_ref, cs_ref):
    h = x_ref[...] + p_ref[...]
    h_ref[...] = h
    logits = jnp.dot(h, w_ref[...], preferred_element_type=jnp.float32)
    slot_ref[...], ce_ref[...], cs_ref[...] = _route_dispatch(
        logits + b_ref[...])


def _route1_body(h_ref, w_ref, b_ref, slot_ref, ce_ref, cs_ref):
    logits = jnp.dot(h_ref[...], w_ref[...], preferred_element_type=jnp.float32)
    slot_ref[...], ce_ref[...], cs_ref[...] = _route_dispatch(
        logits + b_ref[...])


_route0 = pl.pallas_call(
    _route0_body,
    out_shape=(jax.ShapeDtypeStruct((SEQ, DIM), jnp.float32),
               jax.ShapeDtypeStruct((SEQ, 1), jnp.int32),
               jax.ShapeDtypeStruct((NCHP, 1), jnp.int32),
               jax.ShapeDtypeStruct((NCHP, 1), jnp.int32)),
)

_route1 = pl.pallas_call(
    _route1_body,
    out_shape=(jax.ShapeDtypeStruct((SEQ, 1), jnp.int32),
               jax.ShapeDtypeStruct((NCHP, 1), jnp.int32),
               jax.ShapeDtypeStruct((NCHP, 1), jnp.int32)),
)


def _ffn_body(ce_ref, cs_ref, hs_ref, w1_ref, b1_ref, w2_ref, b2_ref, os_ref):
    i = pl.program_id(0)
    e = ce_ref[i]
    s = pl.multiple_of(cs_ref[i], 8)
    x = hs_ref[pl.ds(s, T), :]
    h = jnp.dot(x, w1_ref[0, 0], preferred_element_type=jnp.float32)
    h = h + b1_ref[0, pl.ds(e, 1), :]
    h = 0.5 * h * (1.0 + lax.erf(h * 0.7071067811865476))
    y = jnp.dot(h, w2_ref[0, 0], preferred_element_type=jnp.float32)
    y = y + b2_ref[0, pl.ds(e, 1), :]
    os_ref[pl.ds(s, T), :] = y + x


def _make_ffn(l):
    return pl.pallas_call(
        _ffn_body,
        grid_spec=pltpu.PrefetchScalarGridSpec(
            num_scalar_prefetch=2,
            grid=(NCH,),
            in_specs=[
                pl.BlockSpec((NPAD, DIM), lambda i, ce, cs: (0, 0)),
                pl.BlockSpec((1, 1, DIM, FF), lambda i, ce, cs: (l, ce[i], 0, 0)),
                pl.BlockSpec((1, E, FF), lambda i, ce, cs: (l, 0, 0)),
                pl.BlockSpec((1, 1, FF, DIM), lambda i, ce, cs: (l, ce[i], 0, 0)),
                pl.BlockSpec((1, E, DIM), lambda i, ce, cs: (l, 0, 0)),
            ],
            out_specs=pl.BlockSpec((NPAD, DIM), lambda i, ce, cs: (0, 0)),
        ),
        out_shape=jax.ShapeDtypeStruct((NPAD, DIM), jnp.float32),
    )


def kernel(x, pos_emb, route_W, route_b, W1, b1, W2, b2, return_logits):
    x2 = x.reshape(SEQ, DIM)
    p2 = pos_emb.reshape(-1, DIM)[:SEQ]
    scatter_np = _make_sc_scatter(DIM)
    gather_sq = _make_sc_gather(SEQ, DIM)

    h0, slot0, ce0, cs0 = _route0(x2, p2, route_W[0], route_b[0].reshape(1, E))
    hs0 = scatter_np(h0, slot0.reshape(NW, SEQ // NW))
    os0 = _make_ffn(0)(ce0.reshape(NCHP), cs0.reshape(NCHP), hs0,
                       W1, b1, W2, b2)
    h1 = gather_sq(os0, slot0.reshape(SEQ))

    slot1, ce1, cs1 = _route1(h1, route_W[1], route_b[1].reshape(1, E))
    hs1 = scatter_np(h1, slot1.reshape(NW, SEQ // NW))
    os1 = _make_ffn(1)(ce1.reshape(NCHP), cs1.reshape(NCHP), hs1,
                       W1, b1, W2, b2)
    h2 = gather_sq(os1, slot1.reshape(SEQ))
    return h2.reshape(1, SEQ, DIM)

# --- scband reference (transcript-rebuilt; emitter-appended) ---
"""Pipeline reference for scband-mamba-mo-e-24378234372445 (READ-ONLY COPY).

The authoritative reference and input builder live on the scoring server;
editing this copy changes nothing except your own understanding.
"""

import jax, jax.numpy as jnp
import numpy as np

DIM = 768
DEPTH = 2
E = 64
FF = 1024
B = 1
SEQ = 2048
MAXSEQ = 2048


def setup_inputs(seed: int = 0) -> dict:
    key = jax.random.key(seed)
    ks = jax.random.split(key, 8)
    x = jax.random.normal(ks[0], (B, SEQ, DIM), dtype=jnp.float32)
    pos_emb = jax.random.normal(ks[1], (1, MAXSEQ, DIM), dtype=jnp.float32)
    route_W = jax.random.normal(ks[2], (DEPTH, DIM, E), dtype=jnp.float32) * (1.0 / np.sqrt(DIM))
    route_b = jnp.zeros((DEPTH, E), dtype=jnp.float32)
    W1 = jax.random.normal(ks[3], (DEPTH, E, DIM, FF), dtype=jnp.float32) * (1.0 / np.sqrt(DIM))
    b1 = jnp.zeros((DEPTH, E, FF), dtype=jnp.float32)
    W2 = jax.random.normal(ks[4], (DEPTH, E, FF, DIM), dtype=jnp.float32) * (1.0 / np.sqrt(FF))
    b2 = jnp.zeros((DEPTH, E, DIM), dtype=jnp.float32)
    return {"x": x, "pos_emb": pos_emb, "route_W": route_W, "route_b": route_b,
            "W1": W1, "b1": b1, "W2": W2, "b2": b2, "return_logits": 1}


def reference(x, pos_emb, route_W, route_b, W1, b1, W2, b2, return_logits=1):
    # MambaMoE.forward with return_logits=True. The Mamba submodule is an external
    # dependency (mamba_ssm) and is omitted; this reference covers the pos_emb add
    # plus the per-layer SwitchFeedForward MoE residual path.
    b, n, d = x.shape
    h = x + pos_emb[:, :n]
    for l in range(DEPTH):
        flat = h.reshape(-1, d)
        logits = flat @ route_W[l] + route_b[l]
        routing_weights = jax.nn.softmax(logits, axis=-1)
        sel = jnp.argmax(routing_weights, axis=-1)
        out = jnp.zeros_like(flat)
        for e in range(E):
            mask = (sel == e)[:, None]
            hid = jax.nn.gelu(flat @ W1[l, e] + b1[l, e], approximate=False)
            eo = hid @ W2[l, e] + b2[l, e]
            out = jnp.where(mask, eo, out)
        h = out.reshape(b, n, d) + h
    return h

if __name__ == "__main__":
    import jax
    _d = setup_inputs()
    print(jax.jit(kernel)(*tuple(_d.values())))

</pallas_src>

<mosaic_0001>
#map = affine_map<(d0, d1) -> (0, 0)>
module attributes {stable_mosaic.version = 14 : i64} {
  func.func @scat(%arg0: i32, %arg1: i32, %arg2: memref<2048x768xf32, #tpu.memory_space<hbm>>, %arg3: memref<32x64xi32, #tpu.memory_space<hbm>>, %arg4: memref<2816x768xf32, #tpu.memory_space<hbm>>, %arg5: memref<64xi32, #tpu.memory_space<vmem>>, %arg6: memref<64x768xf32, #tpu.memory_space<vmem>>, %arg7: memref<!tpu.dma_semaphore, #tpu.memory_space<semaphore_mem>>) attributes {dimension_semantics = [#tpu.dimension_semantics<core_parallel>, #tpu.dimension_semantics<subcore_parallel>], iteration_bounds = array<i64: 2, 16>, scalar_prefetch = 0 : i64, scratch_operands = 3 : i64, tpu.core_type = #tpu.core_type<sc_vector_subcore>, window_params = [{transform_indices = #map}, {transform_indices = #map}, {transform_indices = #map}]} {
    %mul3A = arith.constant 2 : i32
    %mul3A_0 = arith.muli %arg1, %mul3A : i32
    %add3A = arith.addi %mul3A_0, %arg0 : i32
    %mul3A_1 = arith.constant 64 : i32
    %mul3A_2 = arith.muli %add3A, %mul3A_1 : i32
    "tpu.region"() ({
      %run_scoped3A = tpu.sem_alloc : memref<!tpu.dma_semaphore, #tpu.memory_space<semaphore_mem>>
      %dma_start3A_7 = arith.constant 0 : i32
      %dma_start3A_8 = tpu.memref_slice %arg3[%add3A, %dma_start3A_7] : memref<32x64xi32, #tpu.memory_space<hbm>> -> memref<1x64xi32, #tpu.memory_space<hbm>>
      %dma_start3A_9 = tpu.memref_squeeze %dma_start3A_8 : memref<1x64xi32, #tpu.memory_space<hbm>> -> memref<64xi32, #tpu.memory_space<hbm>>
      %dma_start3A_10 = arith.constant 0 : i32
      %dma_start3A_11 = tpu.memref_slice %arg3[%add3A, %dma_start3A_10] : memref<32x64xi32, #tpu.memory_space<hbm>> -> memref<1x64xi32, #tpu.memory_space<hbm>>
      %dma_start3A_12 = tpu.memref_squeeze %dma_start3A_11 : memref<1x64xi32, #tpu.memory_space<hbm>> -> memref<64xi32, #tpu.memory_space<hbm>>
      tpu.enqueue_dma source(%dma_start3A_12 : memref<64xi32, #tpu.memory_space<hbm>>) target(%arg5 : memref<64xi32, #tpu.memory_space<vmem>>) target_semaphore(%run_scoped3A : memref<!tpu.dma_semaphore, #tpu.memory_space<semaphore_mem>>)
      %dma_wait3A_13 = arith.constant 0 : i32
      %dma_wait3A_14 = tpu.memref_slice %arg3[%add3A, %dma_wait3A_13] : memref<32x64xi32, #tpu.memory_space<hbm>> -> memref<1x64xi32, #tpu.memory_space<hbm>>
      %dma_wait3A_15 = tpu.memref_squeeze %dma_wait3A_14 : memref<1x64xi32, #tpu.memory_space<hbm>> -> memref<64xi32, #tpu.memory_space<hbm>>
      %dma_wait3A_16 = arith.constant 0 : i32
      %dma_wait3A_17 = tpu.memref_slice %arg3[%add3A, %dma_wait3A_16] : memref<32x64xi32, #tpu.memory_space<hbm>> -> memref<1x64xi32, #tpu.memory_space<hbm>>
      %dma_wait3A_18 = tpu.memref_squeeze %dma_wait3A_17 : memref<1x64xi32, #tpu.memory_space<hbm>> -> memref<64xi32, #tpu.memory_space<hbm>>
      tpu.wait_dma2 semaphore(%run_scoped3A : memref<!tpu.dma_semaphore, #tpu.memory_space<semaphore_mem>>) src(%dma_wait3A_18 : memref<64xi32, #tpu.memory_space<hbm>>) dst(%arg5 : memref<64xi32, #tpu.memory_space<vmem>>)
      tpu.yield
    }) : () -> ()
    "tpu.region"() ({
      %run_scoped3A = tpu.sem_alloc : memref<!tpu.dma_semaphore, #tpu.memory_space<semaphore_mem>>
      %dma_start3A_7 = arith.constant 0 : i32
      %dma_start3A_8 = tpu.memref_slice %arg2[%mul3A_2, %dma_start3A_7] : memref<2048x768xf32, #tpu.memory_space<hbm>> -> memref<64x768xf32, #tpu.memory_space<hbm>>
      %dma_start3A_9 = arith.constant 0 : i32
      %dma_start3A_10 = tpu.memref_slice %arg2[%mul3A_2, %dma_start3A_9] : memref<2048x768xf32, #tpu.memory_space<hbm>> -> memref<64x768xf32, #tpu.memory_space<hbm>>
      tpu.enqueue_dma source(%dma_start3A_10 : memref<64x768xf32, #tpu.memory_space<hbm>>) target(%arg6 : memref<64x768xf32, #tpu.memory_space<vmem>>) target_semaphore(%run_scoped3A : memref<!tpu.dma_semaphore, #tpu.memory_space<semaphore_mem>>)
      %dma_wait3A_11 = arith.constant 0 : i32
      %dma_wait3A_12 = tpu.memref_slice %arg2[%mul3A_2, %dma_wait3A_11] : memref<2048x768xf32, #tpu.memory_space<hbm>> -> memref<64x768xf32, #tpu.memory_space<hbm>>
      %dma_wait3A_13 = arith.constant 0 : i32
      %dma_wait3A_14 = tpu.memref_slice %arg2[%mul3A_2, %dma_wait3A_13] : memref<2048x768xf32, #tpu.memory_space<hbm>> -> memref<64x768xf32, #tpu.memory_space<hbm>>
      tpu.wait_dma2 semaphore(%run_scoped3A : memref<!tpu.dma_semaphore, #tpu.memory_space<semaphore_mem>>) src(%dma_wait3A_14 : memref<64x768xf32, #tpu.memory_space<hbm>>) dst(%arg6 : memref<64x768xf32, #tpu.memory_space<vmem>>)
      tpu.yield
    }) : () -> ()
    %dma_start3A = arith.constant 0 : i32
    %dma_start3A_3 = arith.constant 0 : i32
    %dma_start3A_4 = tpu.memref_slice %arg4[%dma_start3A, %dma_start3A_3] : memref<2816x768xf32, #tpu.memory_space<hbm>> -> memref<2816x768xf32, #tpu.memory_space<hbm>>
    tpu.enqueue_indirect_dma source(%arg6 : memref<64x768xf32, #tpu.memory_space<vmem>>) target(%dma_start3A_4 : memref<2816x768xf32, #tpu.memory_space<hbm>>) offsets(%arg5 : memref<64xi32, #tpu.memory_space<vmem>>) semaphore(%arg7 : memref<!tpu.dma_semaphore, #tpu.memory_space<semaphore_mem>>)
    %dma_wait3A = arith.constant 0 : i32
    %dma_wait3A_5 = arith.constant 0 : i32
    %dma_wait3A_6 = tpu.memref_slice %arg4[%dma_wait3A, %dma_wait3A_5] : memref<2816x768xf32, #tpu.memory_space<hbm>> -> memref<2816x768xf32, #tpu.memory_space<hbm>>
    tpu.wait_indirect_dma semaphore(%arg7 : memref<!tpu.dma_semaphore, #tpu.memory_space<semaphore_mem>>) src(%arg6 : memref<64x768xf32, #tpu.memory_space<vmem>>) dst(%dma_wait3A_6 : memref<2816x768xf32, #tpu.memory_space<hbm>>)
    return
  }
}

#map = affine_map<(d0, d1) -> (0, 0)>
#map1 = affine_map<(d0, d1) -> (0)>
module attributes {stable_mosaic.version = 14 : i64} {
  func.func @gath(%arg0: i32, %arg1: i32, %arg2: memref<2816x768xf32, #tpu.memory_space<hbm>>, %arg3: memref<2048xi32, #tpu.memory_space<hbm>>, %arg4: memref<2048x768xf32, #tpu.memory_space<hbm>>, %arg5: memref<64xi32, #tpu.memory_space<vmem>>, %arg6: memref<64x768xf32, #tpu.memory_space<vmem>>, %arg7: memref<!tpu.dma_semaphore, #tpu.memory_space<semaphore_mem>>) attributes {dimension_semantics = [#tpu.dimension_semantics<core_parallel>, #tpu.dimension_semantics<subcore_parallel>], iteration_bounds = array<i64: 2, 16>, scalar_prefetch = 0 : i64, scratch_operands = 3 : i64, tpu.core_type = #tpu.core_type<sc_vector_subcore>, window_params = [{transform_indices = #map}, {transform_indices = #map1}, {transform_indices = #map}]} {
    %mul3A = arith.constant 2 : i32
    %mul3A_0 = arith.muli %arg1, %mul3A : i32
    %add3A = arith.addi %mul3A_0, %arg0 : i32
    %mul3A_1 = arith.constant 64 : i32
    %mul3A_2 = arith.muli %add3A, %mul3A_1 : i32
    "tpu.region"() ({
      %run_scoped3A = tpu.sem_alloc : memref<!tpu.dma_semaphore, #tpu.memory_space<semaphore_mem>>
      %dma_start3A_7 = tpu.memref_slice %arg3[%mul3A_2] : memref<2048xi32, #tpu.memory_space<hbm>> -> memref<64xi32, #tpu.memory_space<hbm>>
      %dma_start3A_8 = tpu.memref_slice %arg3[%mul3A_2] : memref<2048xi32, #tpu.memory_space<hbm>> -> memref<64xi32, #tpu.memory_space<hbm>>
      tpu.enqueue_dma source(%dma_start3A_8 : memref<64xi32, #tpu.memory_space<hbm>>) target(%arg5 : memref<64xi32, #tpu.memory_space<vmem>>) target_semaphore(%run_scoped3A : memref<!tpu.dma_semaphore, #tpu.memory_space<semaphore_mem>>)
      %dma_wait3A_9 = tpu.memref_slice %arg3[%mul3A_2] : memref<2048xi32, #tpu.memory_space<hbm>> -> memref<64xi32, #tpu.memory_space<hbm>>
      %dma_wait3A_10 = tpu.memref_slice %arg3[%mul3A_2] : memref<2048xi32, #tpu.memory_space<hbm>> -> memref<64xi32, #tpu.memory_space<hbm>>
      tpu.wait_dma2 semaphore(%run_scoped3A : memref<!tpu.dma_semaphore, #tpu.memory_space<semaphore_mem>>) src(%dma_wait3A_10 : memref<64xi32, #tpu.memory_space<hbm>>) dst(%arg5 : memref<64xi32, #tpu.memory_space<vmem>>)
      tpu.yield
    }) : () -> ()
    %dma_start3A = arith.constant 0 : i32
    %dma_start3A_3 = arith.constant 0 : i32
    %dma_start3A_4 = tpu.memref_slice %arg2[%dma_start3A, %dma_start3A_3] : memref<2816x768xf32, #tpu.memory_space<hbm>> -> memref<2816x768xf32, #tpu.memory_space<hbm>>
    tpu.enqueue_indirect_dma source(%dma_start3A_4 : memref<2816x768xf32, #tpu.memory_space<hbm>>) target(%arg6 : memref<64x768xf32, #tpu.memory_space<vmem>>) offsets(%arg5 : memref<64xi32, #tpu.memory_space<vmem>>) semaphore(%arg7 : memref<!tpu.dma_semaphore, #tpu.memory_space<semaphore_mem>>)
    %dma_wait3A = arith.constant 0 : i32
    %dma_wait3A_5 = arith.constant 0 : i32
    %dma_wait3A_6 = tpu.memref_slice %arg2[%dma_wait3A, %dma_wait3A_5] : memref<2816x768xf32, #tpu.memory_space<hbm>> -> memref<2816x768xf32, #tpu.memory_space<hbm>>
    tpu.wait_indirect_dma semaphore(%arg7 : memref<!tpu.dma_semaphore, #tpu.memory_space<semaphore_mem>>) src(%dma_wait3A_6 : memref<2816x768xf32, #tpu.memory_space<hbm>>) dst(%arg6 : memref<64x768xf32, #tpu.memory_space<vmem>>)
    "tpu.region"() ({
      %run_scoped3A = tpu.sem_alloc : memref<!tpu.dma_semaphore, #tpu.memory_space<semaphore_mem>>
      %dma_start3A_7 = arith.constant 0 : i32
      %dma_start3A_8 = tpu.memref_slice %arg4[%mul3A_2, %dma_start3A_7] : memref<2048x768xf32, #tpu.memory_space<hbm>> -> memref<64x768xf32, #tpu.memory_space<hbm>>
      %dma_start3A_9 = arith.constant 0 : i32
      %dma_start3A_10 = tpu.memref_slice %arg4[%mul3A_2, %dma_start3A_9] : memref<2048x768xf32, #tpu.memory_space<hbm>> -> memref<64x768xf32, #tpu.memory_space<hbm>>
      tpu.enqueue_dma source(%arg6 : memref<64x768xf32, #tpu.memory_space<vmem>>) target(%dma_start3A_10 : memref<64x768xf32, #tpu.memory_space<hbm>>) target_semaphore(%run_scoped3A : memref<!tpu.dma_semaphore, #tpu.memory_space<semaphore_mem>>)
      %dma_wait3A_11 = arith.constant 0 : i32
      %dma_wait3A_12 = tpu.memref_slice %arg4[%mul3A_2, %dma_wait3A_11] : memref<2048x768xf32, #tpu.memory_space<hbm>> -> memref<64x768xf32, #tpu.memory_space<hbm>>
      %dma_wait3A_13 = arith.constant 0 : i32
      %dma_wait3A_14 = tpu.memref_slice %arg4[%mul3A_2, %dma_wait3A_13] : memref<2048x768xf32, #tpu.memory_space<hbm>> -> memref<64x768xf32, #tpu.memory_space<hbm>>
      tpu.wait_dma2 semaphore(%run_scoped3A : memref<!tpu.dma_semaphore, #tpu.memory_space<semaphore_mem>>) src(%arg6 : memref<64x768xf32, #tpu.memory_space<vmem>>) dst(%dma_wait3A_14 : memref<64x768xf32, #tpu.memory_space<hbm>>)
      tpu.yield
    }) : () -> ()
    return
  }
}

#map = affine_map<(d0, d1) -> (0, 0)>
#map1 = affine_map<(d0, d1) -> (0)>
module attributes {stable_mosaic.version = 14 : i64} {
  func.func @gath(%arg0: i32, %arg1: i32, %arg2: memref<2816x768xf32, #tpu.memory_space<hbm>>, %arg3: memref<2048xi32, #tpu.memory_space<hbm>>, %arg4: memref<2048x768xf32, #tpu.memory_space<hbm>>, %arg5: memref<64xi32, #tpu.memory_space<vmem>>, %arg6: memref<64x768xf32, #tpu.memory_space<vmem>>, %arg7: memref<!tpu.dma_semaphore, #tpu.memory_space<semaphore_mem>>) attributes {dimension_semantics = [#tpu.dimension_semantics<core_parallel>, #tpu.dimension_semantics<subcore_parallel>], iteration_bounds = array<i64: 2, 16>, scalar_prefetch = 0 : i64, scratch_operands = 3 : i64, tpu.core_type = #tpu.core_type<sc_vector_subcore>, window_params = [{transform_indices = #map}, {transform_indices = #map1}, {transform_indices = #map}]} {
    %mul3A = arith.constant 2 : i32
    %mul3A_0 = arith.muli %arg1, %mul3A : i32
    %add3A = arith.addi %mul3A_0, %arg0 : i32
    %mul3A_1 = arith.constant 64 : i32
    %mul3A_2 = arith.muli %add3A, %mul3A_1 : i32
    "tpu.region"() ({
      %run_scoped3A = tpu.sem_alloc : memref<!tpu.dma_semaphore, #tpu.memory_space<semaphore_mem>>
      %dma_start3A_7 = tpu.memref_slice %arg3[%mul3A_2] : memref<2048xi32, #tpu.memory_space<hbm>> -> memref<64xi32, #tpu.memory_space<hbm>>
      %dma_start3A_8 = tpu.memref_slice %arg3[%mul3A_2] : memref<2048xi32, #tpu.memory_space<hbm>> -> memref<64xi32, #tpu.memory_space<hbm>>
      tpu.enqueue_dma source(%dma_start3A_8 : memref<64xi32, #tpu.memory_space<hbm>>) target(%arg5 : memref<64xi32, #tpu.memory_space<vmem>>) target_semaphore(%run_scoped3A : memref<!tpu.dma_semaphore, #tpu.memory_space<semaphore_mem>>)
      %dma_wait3A_9 = tpu.memref_slice %arg3[%mul3A_2] : memref<2048xi32, #tpu.memory_space<hbm>> -> memref<64xi32, #tpu.memory_space<hbm>>
      %dma_wait3A_10 = tpu.memref_slice %arg3[%mul3A_2] : memref<2048xi32, #tpu.memory_space<hbm>> -> memref<64xi32, #tpu.memory_space<hbm>>
      tpu.wait_dma2 semaphore(%run_scoped3A : memref<!tpu.dma_semaphore, #tpu.memory_space<semaphore_mem>>) src(%dma_wait3A_10 : memref<64xi32, #tpu.memory_space<hbm>>) dst(%arg5 : memref<64xi32, #tpu.memory_space<vmem>>)
      tpu.yield
    }) : () -> ()
    %dma_start3A = arith.constant 0 : i32
    %dma_start3A_3 = arith.constant 0 : i32
    %dma_start3A_4 = tpu.memref_slice %arg2[%dma_start3A, %dma_start3A_3] : memref<2816x768xf32, #tpu.memory_space<hbm>> -> memref<2816x768xf32, #tpu.memory_space<hbm>>
    tpu.enqueue_indirect_dma source(%dma_start3A_4 : memref<2816x768xf32, #tpu.memory_space<hbm>>) target(%arg6 : memref<64x768xf32, #tpu.memory_space<vmem>>) offsets(%arg5 : memref<64xi32, #tpu.memory_space<vmem>>) semaphore(%arg7 : memref<!tpu.dma_semaphore, #tpu.memory_space<semaphore_mem>>)
    %dma_wait3A = arith.constant 0 : i32
    %dma_wait3A_5 = arith.constant 0 : i32
    %dma_wait3A_6 = tpu.memref_slice %arg2[%dma_wait3A, %dma_wait3A_5] : memref<2816x768xf32, #tpu.memory_space<hbm>> -> memref<2816x768xf32, #tpu.memory_space<hbm>>
    tpu.wait_indirect_dma semaphore(%arg7 : memref<!tpu.dma_semaphore, #tpu.memory_space<semaphore_mem>>) src(%dma_wait3A_6 : memref<2816x768xf32, #tpu.memory_space<hbm>>) dst(%arg6 : memref<64x768xf32, #tpu.memory_space<vmem>>)
    "tpu.region"() ({
      %run_scoped3A = tpu.sem_alloc : memref<!tpu.dma_semaphore, #tpu.memory_space<semaphore_mem>>
      %dma_start3A_7 = arith.constant 0 : i32
      %dma_start3A_8 = tpu.memref_slice %arg4[%mul3A_2, %dma_start3A_7] : memref<2048x768xf32, #tpu.memory_space<hbm>> -> memref<64x768xf32, #tpu.memory_space<hbm>>
      %dma_start3A_9 = arith.constant 0 : i32
      %dma_start3A_10 = tpu.memref_slice %arg4[%mul3A_2, %dma_start3A_9] : memref<2048x768xf32, #tpu.memory_space<hbm>> -> memref<64x768xf32, #tpu.memory_space<hbm>>
      tpu.enqueue_dma source(%arg6 : memref<64x768xf32, #tpu.memory_space<vmem>>) target(%dma_start3A_10 : memref<64x768xf32, #tpu.memory_space<hbm>>) target_semaphore(%run_scoped3A : memref<!tpu.dma_semaphore, #tpu.memory_space<semaphore_mem>>)
      %dma_wait3A_11 = arith.constant 0 : i32
      %dma_wait3A_12 = tpu.memref_slice %arg4[%mul3A_2, %dma_wait3A_11] : memref<2048x768xf32, #tpu.memory_space<hbm>> -> memref<64x768xf32, #tpu.memory_space<hbm>>
      %dma_wait3A_13 = arith.constant 0 : i32
      %dma_wait3A_14 = tpu.memref_slice %arg4[%mul3A_2, %dma_wait3A_13] : memref<2048x768xf32, #tpu.memory_space<hbm>> -> memref<64x768xf32, #tpu.memory_space<hbm>>
      tpu.wait_dma2 semaphore(%run_scoped3A : memref<!tpu.dma_semaphore, #tpu.memory_space<semaphore_mem>>) src(%arg6 : memref<64x768xf32, #tpu.memory_space<vmem>>) dst(%dma_wait3A_14 : memref<64x768xf32, #tpu.memory_space<hbm>>)
      tpu.yield
    }) : () -> ()
    return
  }
}

#map = affine_map<(d0, d1) -> (0, 0)>
module attributes {stable_mosaic.version = 14 : i64} {
  func.func @scat(%arg0: i32, %arg1: i32, %arg2: memref<2048x768xf32, #tpu.memory_space<hbm>>, %arg3: memref<32x64xi32, #tpu.memory_space<hbm>>, %arg4: memref<2816x768xf32, #tpu.memory_space<hbm>>, %arg5: memref<64xi32, #tpu.memory_space<vmem>>, %arg6: memref<64x768xf32, #tpu.memory_space<vmem>>, %arg7: memref<!tpu.dma_semaphore, #tpu.memory_space<semaphore_mem>>) attributes {dimension_semantics = [#tpu.dimension_semantics<core_parallel>, #tpu.dimension_semantics<subcore_parallel>], iteration_bounds = array<i64: 2, 16>, scalar_prefetch = 0 : i64, scratch_operands = 3 : i64, tpu.core_type = #tpu.core_type<sc_vector_subcore>, window_params = [{transform_indices = #map}, {transform_indices = #map}, {transform_indices = #map}]} {
    %mul3A = arith.constant 2 : i32
    %mul3A_0 = arith.muli %arg1, %mul3A : i32
    %add3A = arith.addi %mul3A_0, %arg0 : i32
    %mul3A_1 = arith.constant 64 : i32
    %mul3A_2 = arith.muli %add3A, %mul3A_1 : i32
    "tpu.region"() ({
      %run_scoped3A = tpu.sem_alloc : memref<!tpu.dma_semaphore, #tpu.memory_space<semaphore_mem>>
      %dma_start3A_7 = arith.constant 0 : i32
      %dma_start3A_8 = tpu.memref_slice %arg3[%add3A, %dma_start3A_7] : memref<32x64xi32, #tpu.memory_space<hbm>> -> memref<1x64xi32, #tpu.memory_space<hbm>>
      %dma_start3A_9 = tpu.memref_squeeze %dma_start3A_8 : memref<1x64xi32, #tpu.memory_space<hbm>> -> memref<64xi32, #tpu.memory_space<hbm>>
      %dma_start3A_10 = arith.constant 0 : i32
      %dma_start3A_11 = tpu.memref_slice %arg3[%add3A, %dma_start3A_10] : memref<32x64xi32, #tpu.memory_space<hbm>> -> memref<1x64xi32, #tpu.memory_space<hbm>>
      %dma_start3A_12 = tpu.memref_squeeze %dma_start3A_11 : memref<1x64xi32, #tpu.memory_space<hbm>> -> memref<64xi32, #tpu.memory_space<hbm>>
      tpu.enqueue_dma source(%dma_start3A_12 : memref<64xi32, #tpu.memory_space<hbm>>) target(%arg5 : memref<64xi32, #tpu.memory_space<vmem>>) target_semaphore(%run_scoped3A : memref<!tpu.dma_semaphore, #tpu.memory_space<semaphore_mem>>)
      %dma_wait3A_13 = arith.constant 0 : i32
      %dma_wait3A_14 = tpu.memref_slice %arg3[%add3A, %dma_wait3A_13] : memref<32x64xi32, #tpu.memory_space<hbm>> -> memref<1x64xi32, #tpu.memory_space<hbm>>
      %dma_wait3A_15 = tpu.memref_squeeze %dma_wait3A_14 : memref<1x64xi32, #tpu.memory_space<hbm>> -> memref<64xi32, #tpu.memory_space<hbm>>
      %dma_wait3A_16 = arith.constant 0 : i32
      %dma_wait3A_17 = tpu.memref_slice %arg3[%add3A, %dma_wait3A_16] : memref<32x64xi32, #tpu.memory_space<hbm>> -> memref<1x64xi32, #tpu.memory_space<hbm>>
      %dma_wait3A_18 = tpu.memref_squeeze %dma_wait3A_17 : memref<1x64xi32, #tpu.memory_space<hbm>> -> memref<64xi32, #tpu.memory_space<hbm>>
      tpu.wait_dma2 semaphore(%run_scoped3A : memref<!tpu.dma_semaphore, #tpu.memory_space<semaphore_mem>>) src(%dma_wait3A_18 : memref<64xi32, #tpu.memory_space<hbm>>) dst(%arg5 : memref<64xi32, #tpu.memory_space<vmem>>)
      tpu.yield
    }) : () -> ()
    "tpu.region"() ({
      %run_scoped3A = tpu.sem_alloc : memref<!tpu.dma_semaphore, #tpu.memory_space<semaphore_mem>>
      %dma_start3A_7 = arith.constant 0 : i32
      %dma_start3A_8 = tpu.memref_slice %arg2[%mul3A_2, %dma_start3A_7] : memref<2048x768xf32, #tpu.memory_space<hbm>> -> memref<64x768xf32, #tpu.memory_space<hbm>>
      %dma_start3A_9 = arith.constant 0 : i32
      %dma_start3A_10 = tpu.memref_slice %arg2[%mul3A_2, %dma_start3A_9] : memref<2048x768xf32, #tpu.memory_space<hbm>> -> memref<64x768xf32, #tpu.memory_space<hbm>>
      tpu.enqueue_dma source(%dma_start3A_10 : memref<64x768xf32, #tpu.memory_space<hbm>>) target(%arg6 : memref<64x768xf32, #tpu.memory_space<vmem>>) target_semaphore(%run_scoped3A : memref<!tpu.dma_semaphore, #tpu.memory_space<semaphore_mem>>)
      %dma_wait3A_11 = arith.constant 0 : i32
      %dma_wait3A_12 = tpu.memref_slice %arg2[%mul3A_2, %dma_wait3A_11] : memref<2048x768xf32, #tpu.memory_space<hbm>> -> memref<64x768xf32, #tpu.memory_space<hbm>>
      %dma_wait3A_13 = arith.constant 0 : i32
      %dma_wait3A_14 = tpu.memref_slice %arg2[%mul3A_2, %dma_wait3A_13] : memref<2048x768xf32, #tpu.memory_space<hbm>> -> memref<64x768xf32, #tpu.memory_space<hbm>>
      tpu.wait_dma2 semaphore(%run_scoped3A : memref<!tpu.dma_semaphore, #tpu.memory_space<semaphore_mem>>) src(%dma_wait3A_14 : memref<64x768xf32, #tpu.memory_space<hbm>>) dst(%arg6 : memref<64x768xf32, #tpu.memory_space<vmem>>)
      tpu.yield
    }) : () -> ()
    %dma_start3A = arith.constant 0 : i32
    %dma_start3A_3 = arith.constant 0 : i32
    %dma_start3A_4 = tpu.memref_slice %arg4[%dma_start3A, %dma_start3A_3] : memref<2816x768xf32, #tpu.memory_space<hbm>> -> memref<2816x768xf32, #tpu.memory_space<hbm>>
    tpu.enqueue_indirect_dma source(%arg6 : memref<64x768xf32, #tpu.memory_space<vmem>>) target(%dma_start3A_4 : memref<2816x768xf32, #tpu.memory_space<hbm>>) offsets(%arg5 : memref<64xi32, #tpu.memory_space<vmem>>) semaphore(%arg7 : memref<!tpu.dma_semaphore, #tpu.memory_space<semaphore_mem>>)
    %dma_wait3A = arith.constant 0 : i32
    %dma_wait3A_5 = arith.constant 0 : i32
    %dma_wait3A_6 = tpu.memref_slice %arg4[%dma_wait3A, %dma_wait3A_5] : memref<2816x768xf32, #tpu.memory_space<hbm>> -> memref<2816x768xf32, #tpu.memory_space<hbm>>
    tpu.wait_indirect_dma semaphore(%arg7 : memref<!tpu.dma_semaphore, #tpu.memory_space<semaphore_mem>>) src(%arg6 : memref<64x768xf32, #tpu.memory_space<vmem>>) dst(%dma_wait3A_6 : memref<2816x768xf32, #tpu.memory_space<hbm>>)
    return
  }
}

module attributes {stable_mosaic.version = 14 : i64} {
  func.func @_route0_body(%arg0: memref<2048x768xf32, #tpu.memory_space<vmem>>, %arg1: memref<2048x768xf32, #tpu.memory_space<vmem>>, %arg2: memref<768x64xf32, #tpu.memory_space<vmem>>, %arg3: memref<1x64xf32, #tpu.memory_space<vmem>>, %arg4: memref<2048x768xf32, #tpu.memory_space<vmem>>, %arg5: memref<2048x1xi32, #tpu.memory_space<vmem>>, %arg6: memref<128x1xi32, #tpu.memory_space<vmem>>, %arg7: memref<128x1xi32, #tpu.memory_space<vmem>>) attributes {dimension_semantics = [], scalar_prefetch = 0 : i64, scratch_operands = 0 : i64, tpu.core_type = #tpu.core_type<tc>} {
    %get3A = arith.constant 0 : index
    %get3A_0 = arith.constant 0 : index
    %get3A_1 = vector.load %arg0[%get3A, %get3A_0] : memref<2048x768xf32, #tpu.memory_space<vmem>>, vector<2048x768xf32>
    %get3A_2 = arith.constant 0 : index
    %get3A_3 = arith.constant 0 : index
    %get3A_4 = vector.load %arg1[%get3A_2, %get3A_3] : memref<2048x768xf32, #tpu.memory_space<vmem>>, vector<2048x768xf32>
    %add3A = arith.addf %get3A_1, %get3A_4 : vector<2048x768xf32>
    %swap3A = arith.constant 0 : index
    %swap3A_5 = arith.constant 0 : index
    %swap3A_6 = vector.load %arg4[%swap3A, %swap3A_5] : memref<2048x768xf32, #tpu.memory_space<vmem>>, vector<2048x768xf32>
    tpu.vector_store %arg4[%swap3A, %swap3A_5], %add3A {strides = array<i32>} : memref<2048x768xf32, #tpu.memory_space<vmem>>, vector<2048x768xf32>,
    %get3A_7 = arith.constant 0 : index
    %get3A_8 = arith.constant 0 : index
    %get3A_9 = vector.load %arg2[%get3A_7, %get3A_8] : memref<768x64xf32, #tpu.memory_space<vmem>>, vector<768x64xf32>
    %dot_general3A = arith.constant dense<0.000000e+00> : vector<2048x64xf32>
    %dot_general3A_10 = tpu.matmul %add3A, %get3A_9, %dot_general3A {dimension_numbers = #tpu.dot_dimension_numbers<[1], [0], [0], [1], [0, 0, 1, 1], [], []>, transpose_lhs_hint = false} : vector<2048x768xf32>, vector<768x64xf32>, vector<2048x64xf32> -> vector<2048x64xf32>
    %get3A_11 = arith.constant 0 : index
    %get3A_12 = arith.constant 0 : index
    %get3A_13 = vector.load %arg3[%get3A_11, %get3A_12] : memref<1x64xf32, #tpu.memory_space<vmem>>, vector<1x64xf32>
    %add3A_14 = vector.broadcast %get3A_13 : vector<1x64xf32> to vector<2048x64xf32>
    %add3A_15 = arith.addf %dot_general3A_10, %add3A_14 : vector<2048x64xf32>
    %reduce_max3A = arith.constant dense<0xFF800000> : vector<2048xf32>
    %reduce_max3A_16 = vector.multi_reduction <maximumf>, %add3A_15, %reduce_max3A [1] : vector<2048x64xf32> to vector<2048xf32>
    %broadcast_in_dim3A = vector.shape_cast %reduce_max3A_16 : vector<2048xf32> to vector<2048x1xf32>
    %iota3A = tpu.iota {dimensions = array<i32: 1>} : vector<2048x64xi32>
    %ge3A = vector.broadcast %broadcast_in_dim3A : vector<2048x1xf32> to vector<2048x64xf32>
    %ge3A_17 = arith.cmpf oge, %add3A_15, %ge3A : vector<2048x64xf32>
    %jit3A = arith.constant 64 : i32
    %broadcast_in_dim3A_18 = vector.broadcast %jit3A : i32 to vector<2048x64xi32>
    %select_n3A = arith.select %ge3A_17, %iota3A, %broadcast_in_dim3A_18 : vector<2048x64xi1>, vector<2048x64xi32>
    %reduce_min3A = arith.constant dense<2147483647> : vector<2048xi32>
    %reduce_min3A_19 = vector.multi_reduction <minsi>, %select_n3A, %reduce_min3A [1] : vector<2048x64xi32> to vector<2048xi32>
    %broadcast_in_dim3A_20 = vector.shape_cast %reduce_min3A_19 : vector<2048xi32> to vector<2048x1xi32>
    %eq3A = vector.broadcast %broadcast_in_dim3A_20 : vector<2048x1xi32> to vector<2048x64xi32>
    %eq3A_21 = arith.cmpi eq, %iota3A, %eq3A : vector<2048x64xi32>
    %convert_element_type3A = arith.extui %eq3A_21 : vector<2048x64xi1> to vector<2048x64xi32>
    %convert_element_type3A_22 = arith.sitofp %convert_element_type3A : vector<2048x64xi32> to vector<2048x64xf32>
    %reduce_sum3A = arith.constant dense<0.000000e+00> : vector<64xf32>
    %reduce_sum3A_23 = vector.multi_reduction <add>, %convert_element_type3A_22, %reduce_sum3A [0] : vector<2048x64xf32> to vector<64xf32>
    %broadcast_in_dim3A_24 = vector.shape_cast %reduce_sum3A_23 : vector<64xf32> to vector<1x64xf32>
    %iota3A_25 = tpu.iota {dimensions = array<i32: 0>} : vector<2048x2048xi32>
    %iota3A_26 = tpu.iota {dimensions = array<i32: 1>} : vector<2048x2048xi32>
    %lt3A = arith.cmpi slt, %iota3A_26, %iota3A_25 : vector<2048x2048xi32>
    %convert_element_type3A_27 = arith.extui %lt3A : vector<2048x2048xi1> to vector<2048x2048xi32>
    %convert_element_type3A_28 = arith.sitofp %convert_element_type3A_27 : vector<2048x2048xi32> to vector<2048x2048xf32>
    %dot_general3A_29 = arith.constant dense<0.000000e+00> : vector<2048x64xf32>
    %dot_general3A_30 = tpu.matmul %convert_element_type3A_28, %convert_element_type3A_22, %dot_general3A_29 {dimension_numbers = #tpu.dot_dimension_numbers<[1], [0], [0], [1], [0, 0, 1, 1], [], []>, transpose_lhs_hint = false} : vector<2048x2048xf32>, vector<2048x64xf32>, vector<2048x64xf32> -> vector<2048x64xf32>
    %mul3A = arith.mulf %dot_general3A_30, %convert_element_type3A_22 : vector<2048x64xf32>
    %reduce_sum3A_31 = arith.constant dense<0.000000e+00> : vector<2048xf32>
    %reduce_sum3A_32 = vector.multi_reduction <add>, %mul3A, %reduce_sum3A_31 [1] : vector<2048x64xf32> to vector<2048xf32>
    %broadcast_in_dim3A_33 = vector.shape_cast %reduce_sum3A_32 : vector<2048xf32> to vector<2048x1xf32>
    %convert_element_type3A_34 = arith.fptosi %broadcast_in_dim3A_24 : vector<1x64xf32> to vector<1x64xi32>
    %add3A_35 = arith.constant 7 : i32
    %add3A_36 = vector.broadcast %add3A_35 : i32 to vector<1x64xi32>
    %add3A_37 = arith.addi %convert_element_type3A_34, %add3A_36 : vector<1x64xi32>
    %jit3A_38 = arith.constant 8 : i32
    %div3A = vector.broadcast %jit3A_38 : i32 to vector<1x64xi32>
    %div3A_39 = arith.divsi %add3A_37, %div3A : vector<1x64xi32>
    %sign3A = arith.constant 0 : i32
    %sign3A_40 = vector.broadcast %sign3A : i32 to vector<1x64xi32>
    %sign3A_41 = arith.cmpi sgt, %add3A_37, %sign3A_40 : vector<1x64xi32>
    %sign3A_42 = arith.extui %sign3A_41 : vector<1x64xi1> to vector<1x64xi32>
    %sign3A_43 = arith.constant 0 : i32
    %sign3A_44 = vector.broadcast %sign3A_43 : i32 to vector<1x64xi32>
    %sign3A_45 = arith.cmpi slt, %add3A_37, %sign3A_44 : vector<1x64xi32>
    %sign3A_46 = arith.extui %sign3A_45 : vector<1x64xi1> to vector<1x64xi32>
    %sign3A_47 = arith.subi %sign3A_42, %sign3A_46 : vector<1x64xi32>
    %sign3A_48 = arith.constant 0 : i32
    %sign3A_49 = arith.cmpi sgt, %jit3A_38, %sign3A_48 : i32
    %sign3A_50 = arith.extui %sign3A_49 : i1 to i32
    %sign3A_51 = arith.constant 0 : i32
    %sign3A_52 = arith.cmpi slt, %jit3A_38, %sign3A_51 : i32
    %sign3A_53 = arith.extui %sign3A_52 : i1 to i32
    %sign3A_54 = arith.subi %sign3A_50, %sign3A_53 : i32
    %ne3A = vector.broadcast %sign3A_54 : i32 to vector<1x64xi32>
    %ne3A_55 = arith.cmpi ne, %sign3A_47, %ne3A : vector<1x64xi32>
    %rem3A = vector.broadcast %jit3A_38 : i32 to vector<1x64xi32>
    %rem3A_56 = arith.remsi %add3A_37, %rem3A : vector<1x64xi32>
    %ne3A_57 = arith.constant 0 : i32
    %ne3A_58 = vector.broadcast %ne3A_57 : i32 to vector<1x64xi32>
    %ne3A_59 = arith.cmpi ne, %rem3A_56, %ne3A_58 : vector<1x64xi32>
    %and3A = arith.andi %ne3A_55, %ne3A_59 : vector<1x64xi1>
    %sub3A = arith.constant 1 : i32
    %sub3A_60 = vector.broadcast %sub3A : i32 to vector<1x64xi32>
    %sub3A_61 = arith.subi %div3A_39, %sub3A_60 : vector<1x64xi32>
    %select_n3A_62 = arith.select %and3A, %sub3A_61, %div3A_39 : vector<1x64xi1>, vector<1x64xi32>
    %mul3A_63 = arith.constant 8 : i32
    %mul3A_64 = vector.broadcast %mul3A_63 : i32 to vector<1x64xi32>
    %mul3A_65 = arith.muli %select_n3A_62, %mul3A_64 : vector<1x64xi32>
    %convert_element_type3A_66 = arith.sitofp %mul3A_65 : vector<1x64xi32> to vector<1x64xf32>
    %iota3A_67 = tpu.iota {dimensions = array<i32: 0>} : vector<64x64xi32>
    %iota3A_68 = tpu.iota {dimensions = array<i32: 1>} : vector<64x64xi32>
    %lt3A_69 = arith.cmpi slt, %iota3A_67, %iota3A_68 : vector<64x64xi32>
    %convert_element_type3A_70 = arith.extui %lt3A_69 : vector<64x64xi1> to vector<64x64xi32>
    %convert_element_type3A_71 = arith.sitofp %convert_element_type3A_70 : vector<64x64xi32> to vector<64x64xf32>
    %dot_general3A_72 = arith.constant dense<0.000000e+00> : vector<1x64xf32>
    %dot_general3A_73 = tpu.matmul %convert_element_type3A_66, %convert_element_type3A_71, %dot_general3A_72 {dimension_numbers = #tpu.dot_dimension_numbers<[1], [0], [0], [1], [0, 0, 1, 1], [], []>, precision = #tpu.contract_precision<fp32>, transpose_lhs_hint = false} : vector<1x64xf32>, vector<64x64xf32>, vector<1x64xf32> -> vector<1x64xf32>
    %mul3A_74 = vector.broadcast %dot_general3A_73 : vector<1x64xf32> to vector<2048x64xf32>
    %mul3A_75 = arith.mulf %convert_element_type3A_22, %mul3A_74 : vector<2048x64xf32>
    %reduce_sum3A_76 = arith.constant dense<0.000000e+00> : vector<2048xf32>
    %reduce_sum3A_77 = vector.multi_reduction <add>, %mul3A_75, %reduce_sum3A_76 [1] : vector<2048x64xf32> to vector<2048xf32>
    %broadcast_in_dim3A_78 = vector.shape_cast %reduce_sum3A_77 : vector<2048xf32> to vector<2048x1xf32>
    %add3A_79 = arith.addf %broadcast_in_dim3A_78, %broadcast_in_dim3A_33 : vector<2048x1xf32>
    %convert_element_type3A_80 = arith.fptosi %broadcast_in_dim3A_24 : vector<1x64xf32> to vector<1x64xi32>
    %convert_element_type3A_81 = arith.fptosi %convert_element_type3A_66 : vector<1x64xf32> to vector<1x64xi32>
    %gt3A = arith.constant 0 : i32
    %gt3A_82 = vector.broadcast %gt3A : i32 to vector<1x64xi32>
    %gt3A_83 = arith.cmpi sgt, %convert_element_type3A_80, %gt3A_82 : vector<1x64xi32>
    %add3A_84 = arith.constant 128 : i32
    %add3A_85 = vector.broadcast %add3A_84 : i32 to vector<1x64xi32>
    %add3A_86 = arith.addi %convert_element_type3A_81, %add3A_85 : vector<1x64xi32>
    %sub3A_87 = arith.constant 1 : i32
    %sub3A_88 = vector.broadcast %sub3A_87 : i32 to vector<1x64xi32>
    %sub3A_89 = arith.subi %add3A_86, %sub3A_88 : vector<1x64xi32>
    %jit3A_90 = arith.constant 128 : i32
    %div3A_91 = vector.broadcast %jit3A_90 : i32 to vector<1x64xi32>
    %div3A_92 = arith.divsi %sub3A_89, %div3A_91 : vector<1x64xi32>
    %sign3A_93 = arith.constant 0 : i32
    %sign3A_94 = vector.broadcast %sign3A_93 : i32 to vector<1x64xi32>
    %sign3A_95 = arith.cmpi sgt, %sub3A_89, %sign3A_94 : vector<1x64xi32>
    %sign3A_96 = arith.extui %sign3A_95 : vector<1x64xi1> to vector<1x64xi32>
    %sign3A_97 = arith.constant 0 : i32
    %sign3A_98 = vector.broadcast %sign3A_97 : i32 to vector<1x64xi32>
    %sign3A_99 = arith.cmpi slt, %sub3A_89, %sign3A_98 : vector<1x64xi32>
    %sign3A_100 = arith.extui %sign3A_99 : vector<1x64xi1> to vector<1x64xi32>
    %sign3A_101 = arith.subi %sign3A_96, %sign3A_100 : vector<1x64xi32>
    %sign3A_102 = arith.constant 0 : i32
    %sign3A_103 = arith.cmpi sgt, %jit3A_90, %sign3A_102 : i32
    %sign3A_104 = arith.extui %sign3A_103 : i1 to i32
    %sign3A_105 = arith.constant 0 : i32
    %sign3A_106 = arith.cmpi slt, %jit3A_90, %sign3A_105 : i32
    %sign3A_107 = arith.extui %sign3A_106 : i1 to i32
    %sign3A_108 = arith.subi %sign3A_104, %sign3A_107 : i32
    %ne3A_109 = vector.broadcast %sign3A_108 : i32 to vector<1x64xi32>
    %ne3A_110 = arith.cmpi ne, %sign3A_101, %ne3A_109 : vector<1x64xi32>
    %rem3A_111 = vector.broadcast %jit3A_90 : i32 to vector<1x64xi32>
    %rem3A_112 = arith.remsi %sub3A_89, %rem3A_111 : vector<1x64xi32>
    %ne3A_113 = arith.constant 0 : i32
    %ne3A_114 = vector.broadcast %ne3A_113 : i32 to vector<1x64xi32>
    %ne3A_115 = arith.cmpi ne, %rem3A_112, %ne3A_114 : vector<1x64xi32>
    %and3A_116 = arith.andi %ne3A_110, %ne3A_115 : vector<1x64xi1>
    %sub3A_117 = arith.constant 1 : i32
    %sub3A_118 = vector.broadcast %sub3A_117 : i32 to vector<1x64xi32>
    %sub3A_119 = arith.subi %div3A_92, %sub3A_118 : vector<1x64xi32>
    %select_n3A_120 = arith.select %and3A_116, %sub3A_119, %div3A_92 : vector<1x64xi1>, vector<1x64xi32>
    %jit3A_121 = arith.constant 0 : i32
    %broadcast_in_dim3A_122 = vector.broadcast %jit3A_121 : i32 to vector<1x64xi32>
    %select_n3A_123 = arith.select %gt3A_83, %select_n3A_120, %broadcast_in_dim3A_122 : vector<1x64xi1>, vector<1x64xi32>
    %le3A = arith.cmpi sle, %iota3A_67, %iota3A_68 : vector<64x64xi32>
    %convert_element_type3A_124 = arith.extui %le3A : vector<64x64xi1> to vector<64x64xi32>
    %convert_element_type3A_125 = arith.sitofp %convert_element_type3A_124 : vector<64x64xi32> to vector<64x64xf32>
    %convert_element_type3A_126 = arith.sitofp %select_n3A_123 : vector<1x64xi32> to vector<1x64xf32>
    %dot_general3A_127 = arith.constant dense<0.000000e+00> : vector<1x64xf32>
    %dot_general3A_128 = tpu.matmul %convert_element_type3A_126, %convert_element_type3A_125, %dot_general3A_127 {dimension_numbers = #tpu.dot_dimension_numbers<[1], [0], [0], [1], [0, 0, 1, 1], [], []>, precision = #tpu.contract_precision<fp32>, transpose_lhs_hint = false} : vector<1x64xf32>, vector<64x64xf32>, vector<1x64xf32> -> vector<1x64xf32>
    %convert_element_type3A_129 = arith.sitofp %select_n3A_123 : vector<1x64xi32> to vector<1x64xf32>
    %sub3A_130 = arith.subf %dot_general3A_128, %convert_element_type3A_129 : vector<1x64xf32>
    %reduce_max3A_131 = vector.shape_cast %dot_general3A_128 : vector<1x64xf32> to vector<1x1x64xf32>
    %reduce_max3A_132 = arith.constant dense<0xFF800000> : vector<1xf32>
    %reduce_max3A_133 = vector.multi_reduction <maximumf>, %reduce_max3A_131, %reduce_max3A_132 [1, 2] : vector<1x1x64xf32> to vector<1xf32>
    %reduce_max3A_134 = vector.shape_cast %reduce_max3A_133 : vector<1xf32> to vector<1x1x1xf32>
    %reduce_max3A_135 = vector.extract %reduce_max3A_134[0, 0, 0] : f32 from vector<1x1x1xf32>
    %iota3A_136 = tpu.iota {dimensions = array<i32: 0>} : vector<128x64xi32>
    %broadcast_in_dim3A_137 = vector.shape_cast %dot_general3A_128 : vector<1x64xf32> to vector<1x64xf32>
    %broadcast_in_dim3A_138 = vector.broadcast %broadcast_in_dim3A_137 : vector<1x64xf32> to vector<128x64xf32>
    %convert_element_type3A_139 = arith.sitofp %iota3A_136 : vector<128x64xi32> to vector<128x64xf32>
    %le3A_140 = arith.cmpf ole, %broadcast_in_dim3A_138, %convert_element_type3A_139 : vector<128x64xf32>
    %convert_element_type3A_141 = arith.extui %le3A_140 : vector<128x64xi1> to vector<128x64xi32>
    %reduce_sum3A_142 = arith.constant dense<0> : vector<128xi32>
    %reduce_sum3A_143 = vector.multi_reduction <add>, %convert_element_type3A_141, %reduce_sum3A_142 [1] : vector<128x64xi32> to vector<128xi32>
    %broadcast_in_dim3A_144 = vector.shape_cast %reduce_sum3A_143 : vector<128xi32> to vector<128x1xi32>
    %min3A = arith.constant 63 : i32
    %min3A_145 = vector.broadcast %min3A : i32 to vector<128x1xi32>
    %min3A_146 = arith.minsi %broadcast_in_dim3A_144, %min3A_145 : vector<128x1xi32>
    %iota3A_147 = tpu.iota {dimensions = array<i32: 1>} : vector<128x64xi32>
    %eq3A_148 = vector.broadcast %min3A_146 : vector<128x1xi32> to vector<128x64xi32>
    %eq3A_149 = arith.cmpi eq, %iota3A_147, %eq3A_148 : vector<128x64xi32>
    %convert_element_type3A_150 = arith.extui %eq3A_149 : vector<128x64xi1> to vector<128x64xi32>
    %convert_element_type3A_151 = arith.sitofp %convert_element_type3A_150 : vector<128x64xi32> to vector<128x64xf32>
    %mul3A_152 = vector.broadcast %dot_general3A_73 : vector<1x64xf32> to vector<128x64xf32>
    %mul3A_153 = arith.mulf %convert_element_type3A_151, %mul3A_152 : vector<128x64xf32>
    %reduce_sum3A_154 = arith.constant dense<0.000000e+00> : vector<128xf32>
    %reduce_sum3A_155 = vector.multi_reduction <add>, %mul3A_153, %reduce_sum3A_154 [1] : vector<128x64xf32> to vector<128xf32>
    %broadcast_in_dim3A_156 = vector.shape_cast %reduce_sum3A_155 : vector<128xf32> to vector<128x1xf32>
    %mul3A_157 = vector.broadcast %sub3A_130 : vector<1x64xf32> to vector<128x64xf32>
    %mul3A_158 = arith.mulf %convert_element_type3A_151, %mul3A_157 : vector<128x64xf32>
    %reduce_sum3A_159 = arith.constant dense<0.000000e+00> : vector<128xf32>
    %reduce_sum3A_160 = vector.multi_reduction <add>, %mul3A_158, %reduce_sum3A_159 [1] : vector<128x64xf32> to vector<128xf32>
    %broadcast_in_dim3A_161 = vector.shape_cast %reduce_sum3A_160 : vector<128xf32> to vector<128x1xf32>
    %iota3A_162 = tpu.iota {dimensions = array<i32: 0>} : vector<128x1xi32>
    %convert_element_type3A_163 = arith.sitofp %iota3A_162 : vector<128x1xi32> to vector<128x1xf32>
    %lt3A_164 = vector.broadcast %reduce_max3A_135 : f32 to vector<128x1xf32>
    %lt3A_165 = arith.cmpf olt, %convert_element_type3A_163, %lt3A_164 : vector<128x1xf32>
    %jit3A_166 = arith.constant -1 : i32
    %broadcast_in_dim3A_167 = vector.broadcast %jit3A_166 : i32 to vector<128x1xi32>
    %select_n3A_168 = arith.select %lt3A_165, %min3A_146, %broadcast_in_dim3A_167 : vector<128x1xi1>, vector<128x1xi32>
    %reduce_max3A_169 = vector.shape_cast %select_n3A_168 : vector<128x1xi32> to vector<1x128x1xi32>
    %reduce_max3A_170 = arith.constant dense<-2147483648> : vector<1xi32>
    %reduce_max3A_171 = vector.multi_reduction <maxsi>, %reduce_max3A_169, %reduce_max3A_170 [1, 2] : vector<1x128x1xi32> to vector<1xi32>
    %reduce_max3A_172 = vector.shape_cast %reduce_max3A_171 : vector<1xi32> to vector<1x1x1xi32>
    %reduce_max3A_173 = vector.extract %reduce_max3A_172[0, 0, 0] : i32 from vector<1x1x1xi32>
    %broadcast_in_dim3A_174 = vector.broadcast %reduce_max3A_173 : i32 to vector<128x1xi32>
    %select_n3A_175 = arith.select %lt3A_165, %min3A_146, %broadcast_in_dim3A_174 : vector<128x1xi1>, vector<128x1xi32>
    %convert_element_type3A_176 = arith.sitofp %iota3A_162 : vector<128x1xi32> to vector<128x1xf32>
    %sub3A_177 = arith.subf %convert_element_type3A_176, %broadcast_in_dim3A_161 : vector<128x1xf32>
    %mul3A_178 = arith.constant 1.280000e+02 : f32
    %mul3A_179 = vector.broadcast %mul3A_178 : f32 to vector<128x1xf32>
    %mul3A_180 = arith.mulf %sub3A_177, %mul3A_179 : vector<128x1xf32>
    %add3A_181 = arith.addf %broadcast_in_dim3A_156, %mul3A_180 : vector<128x1xf32>
    %convert_element_type3A_182 = arith.fptosi %add3A_181 : vector<128x1xf32> to vector<128x1xi32>
    %jit3A_183 = arith.constant 2688 : i32
    %broadcast_in_dim3A_184 = vector.broadcast %jit3A_183 : i32 to vector<128x1xi32>
    %select_n3A_185 = arith.select %lt3A_165, %convert_element_type3A_182, %broadcast_in_dim3A_184 : vector<128x1xi1>, vector<128x1xi32>
    %convert_element_type3A_186 = arith.fptosi %add3A_79 : vector<2048x1xf32> to vector<2048x1xi32>
    %swap3A_187 = arith.constant 0 : index
    %swap3A_188 = arith.constant 0 : index
    %swap3A_189 = vector.load %arg5[%swap3A_187, %swap3A_188] : memref<2048x1xi32, #tpu.memory_space<vmem>>, vector<2048x1xi32>
    tpu.vector_store %arg5[%swap3A_187, %swap3A_188], %convert_element_type3A_186 {strides = array<i32>} : memref<2048x1xi32, #tpu.memory_space<vmem>>, vector<2048x1xi32>,
    %swap3A_190 = arith.constant 0 : index
    %swap3A_191 = arith.constant 0 : index
    %swap3A_192 = vector.load %arg6[%swap3A_190, %swap3A_191] : memref<128x1xi32, #tpu.memory_space<vmem>>, vector<128x1xi32>
    tpu.vector_store %arg6[%swap3A_190, %swap3A_191], %select_n3A_175 {strides = array<i32>} : memref<128x1xi32, #tpu.memory_space<vmem>>, vector<128x1xi32>,
    %swap3A_193 = arith.constant 0 : index
    %swap3A_194 = arith.constant 0 : index
    %swap3A_195 = vector.load %arg7[%swap3A_193, %swap3A_194] : memref<128x1xi32, #tpu.memory_space<vmem>>, vector<128x1xi32>
    tpu.vector_store %arg7[%swap3A_193, %swap3A_194], %select_n3A_185 {strides = array<i32>} : memref<128x1xi32, #tpu.memory_space<vmem>>, vector<128x1xi32>,
    return
  }
}

module attributes {stable_mosaic.version = 14 : i64} {
  func.func @_ffn_body(%arg0: i32, %arg1: memref<128xi32, #tpu.memory_space<smem>>, %arg2: memref<128xi32, #tpu.memory_space<smem>>, %arg3: memref<2816x768xf32, #tpu.memory_space<vmem>>, %arg4: memref<1x1x768x1024xf32, #tpu.memory_space<vmem>>, %arg5: memref<1x64x1024xf32, #tpu.memory_space<vmem>>, %arg6: memref<1x1x1024x768xf32, #tpu.memory_space<vmem>>, %arg7: memref<1x64x768xf32, #tpu.memory_space<vmem>>, %arg8: memref<2816x768xf32, #tpu.memory_space<vmem>>) attributes {dimension_semantics = [#tpu.dimension_semantics<arbitrary>], iteration_bounds = array<i64: 80>, scalar_prefetch = 2 : i64, scratch_operands = 0 : i64, tpu.core_type = #tpu.core_type<tc>, window_params = [{pipeline_mode = #tpu.pipeline_mode<synchronous>, transform_indices = @transform_0, window_bounds = array<i64: 2816, 768>}, {transform_indices = @transform_1, window_bounds = array<i64: 1, 1, 768, 1024>}, {transform_indices = @transform_2, window_bounds = array<i64: 1, 64, 1024>}, {transform_indices = @transform_3, window_bounds = array<i64: 1, 1, 1024, 768>}, {transform_indices = @transform_4, window_bounds = array<i64: 1, 64, 768>}, {pipeline_mode = #tpu.pipeline_mode<synchronous>, transform_indices = @transform_5, window_bounds = array<i64: 2816, 768>}]} {
    %get3A = arith.index_cast %arg0 : i32 to index
    %get3A_0 = memref.load %arg1[%get3A] : memref<128xi32, #tpu.memory_space<smem>>
    %get3A_1 = arith.index_cast %arg0 : i32 to index
    %get3A_2 = memref.load %arg2[%get3A_1] : memref<128xi32, #tpu.memory_space<smem>>
    %multiple_of3A = tpu.assume_multiple %get3A_2, 8 : i32
    %get3A_3 = arith.index_cast %multiple_of3A : i32 to index
    %get3A_4 = arith.constant 0 : index
    %get3A_5 = vector.load %arg3[%get3A_3, %get3A_4] : memref<2816x768xf32, #tpu.memory_space<vmem>>, vector<128x768xf32>
    %get3A_6 = arith.constant 0 : index
    %get3A_7 = arith.constant 0 : index
    %get3A_8 = arith.constant 0 : index
    %get3A_9 = arith.constant 0 : index
    %get3A_10 = vector.load %arg4[%get3A_6, %get3A_7, %get3A_8, %get3A_9] : memref<1x1x768x1024xf32, #tpu.memory_space<vmem>>, vector<1x1x768x1024xf32>
    %get3A_11 = vector.shape_cast %get3A_10 : vector<1x1x768x1024xf32> to vector<768x1024xf32>
    %dot_general3A = arith.constant dense<0.000000e+00> : vector<128x1024xf32>
    %dot_general3A_12 = tpu.matmul %get3A_5, %get3A_11, %dot_general3A {dimension_numbers = #tpu.dot_dimension_numbers<[1], [0], [0], [1], [0, 0, 1, 1], [], []>, transpose_lhs_hint = false} : vector<128x768xf32>, vector<768x1024xf32>, vector<128x1024xf32> -> vector<128x1024xf32>
    %get3A_13 = arith.constant 0 : index
    %get3A_14 = arith.index_cast %get3A_0 : i32 to index
    %get3A_15 = arith.constant 0 : index
    %get3A_16 = vector.load %arg5[%get3A_13, %get3A_14, %get3A_15] : memref<1x64x1024xf32, #tpu.memory_space<vmem>>, vector<1x1x1024xf32>
    %get3A_17 = vector.shape_cast %get3A_16 : vector<1x1x1024xf32> to vector<1x1024xf32>
    %add3A = vector.broadcast %get3A_17 : vector<1x1024xf32> to vector<128x1024xf32>
    %add3A_18 = arith.addf %dot_general3A_12, %add3A : vector<128x1024xf32>
    %mul3A = arith.constant 5.000000e-01 : f32
    %mul3A_19 = vector.broadcast %mul3A : f32 to vector<128x1024xf32>
    %mul3A_20 = arith.mulf %mul3A_19, %add3A_18 : vector<128x1024xf32>
    %mul3A_21 = arith.constant 0.707106769 : f32
    %mul3A_22 = vector.broadcast %mul3A_21 : f32 to vector<128x1024xf32>
    %mul3A_23 = arith.mulf %add3A_18, %mul3A_22 : vector<128x1024xf32>
    %erf3A = math.erf %mul3A_23 : vector<128x1024xf32>
    %add3A_24 = arith.constant 1.000000e+00 : f32
    %add3A_25 = vector.broadcast %add3A_24 : f32 to vector<128x1024xf32>
    %add3A_26 = arith.addf %add3A_25, %erf3A : vector<128x1024xf32>
    %mul3A_27 = arith.mulf %mul3A_20, %add3A_26 : vector<128x1024xf32>
    %get3A_28 = arith.constant 0 : index
    %get3A_29 = arith.constant 0 : index
    %get3A_30 = arith.constant 0 : index
    %get3A_31 = arith.constant 0 : index
    %get3A_32 = vector.load %arg6[%get3A_28, %get3A_29, %get3A_30, %get3A_31] : memref<1x1x1024x768xf32, #tpu.memory_space<vmem>>, vector<1x1x1024x768xf32>
    %get3A_33 = vector.shape_cast %get3A_32 : vector<1x1x1024x768xf32> to vector<1024x768xf32>
    %dot_general3A_34 = arith.constant dense<0.000000e+00> : vector<128x768xf32>
    %dot_general3A_35 = tpu.matmul %mul3A_27, %get3A_33, %dot_general3A_34 {dimension_numbers = #tpu.dot_dimension_numbers<[1], [0], [0], [1], [0, 0, 1, 1], [], []>, transpose_lhs_hint = false} : vector<128x1024xf32>, vector<1024x768xf32>, vector<128x768xf32> -> vector<128x768xf32>
    %get3A_36 = arith.constant 0 : index
    %get3A_37 = arith.index_cast %get3A_0 : i32 to index
    %get3A_38 = arith.constant 0 : index
    %get3A_39 = vector.load %arg7[%get3A_36, %get3A_37, %get3A_38] : memref<1x64x768xf32, #tpu.memory_space<vmem>>, vector<1x1x768xf32>
    %get3A_40 = vector.shape_cast %get3A_39 : vector<1x1x768xf32> to vector<1x768xf32>
    %add3A_41 = vector.broadcast %get3A_40 : vector<1x768xf32> to vector<128x768xf32>
    %add3A_42 = arith.addf %dot_general3A_35, %add3A_41 : vector<128x768xf32>
    %add3A_43 = arith.addf %add3A_42, %get3A_5 : vector<128x768xf32>
    %swap3A = arith.index_cast %multiple_of3A : i32 to index
    %swap3A_44 = arith.constant 0 : index
    %swap3A_45 = vector.load %arg8[%swap3A, %swap3A_44] : memref<2816x768xf32, #tpu.memory_space<vmem>>, vector<128x768xf32>
    tpu.vector_store %arg8[%swap3A, %swap3A_44], %add3A_43 {strides = array<i32>} : memref<2816x768xf32, #tpu.memory_space<vmem>>, vector<128x768xf32>,
    return
  }
  func.func @transform_0(%arg0: i32, %arg1: memref<128xi32, #tpu.memory_space<smem>>, %arg2: memref<128xi32, #tpu.memory_space<smem>>) -> (i32, i32) {
    %c0_i32 = arith.constant 0 : i32
    %c0_i32_0 = arith.constant 0 : i32
    %c0_i32_1 = arith.constant 0 : i32
    return %c0_i32, %c0_i32_0 : i32, i32
  }
  func.func @transform_1(%arg0: i32, %arg1: memref<128xi32, #tpu.memory_space<smem>>, %arg2: memref<128xi32, #tpu.memory_space<smem>>) -> (i32, i32, i32, i32) {
    %get3A = arith.index_cast %arg0 : i32 to index
    %get3A_0 = memref.load %arg1[%get3A] : memref<128xi32, #tpu.memory_space<smem>>
    %c0_i32 = arith.constant 0 : i32
    %c0_i32_1 = arith.constant 0 : i32
    %c0_i32_2 = arith.constant 0 : i32
    %c0_i32_3 = arith.constant 0 : i32
    return %c0_i32, %get3A_0, %c0_i32_1, %c0_i32_2 : i32, i32, i32, i32
  }
  func.func @transform_2(%arg0: i32, %arg1: memref<128xi32, #tpu.memory_space<smem>>, %arg2: memref<128xi32, #tpu.memory_space<smem>>) -> (i32, i32, i32) {
    %c0_i32 = arith.constant 0 : i32
    %c0_i32_0 = arith.constant 0 : i32
    %c0_i32_1 = arith.constant 0 : i32
    %c0_i32_2 = arith.constant 0 : i32
    return %c0_i32, %c0_i32_0, %c0_i32_1 : i32, i32, i32
  }
  func.func @transform_3(%arg0: i32, %arg1: memref<128xi32, #tpu.memory_space<smem>>, %arg2: memref<128xi32, #tpu.memory_space<smem>>) -> (i32, i32, i32, i32) {
    %get3A = arith.index_cast %arg0 : i32 to index
    %get3A_0 = memref.load %arg1[%get3A] : memref<128xi32, #tpu.memory_space<smem>>
    %c0_i32 = arith.constant 0 : i32
    %c0_i32_1 = arith.constant 0 : i32
    %c0_i32_2 = arith.constant 0 : i32
    %c0_i32_3 = arith.constant 0 : i32
    return %c0_i32, %get3A_0, %c0_i32_1, %c0_i32_2 : i32, i32, i32, i32
  }
  func.func @transform_4(%arg0: i32, %arg1: memref<128xi32, #tpu.memory_space<smem>>, %arg2: memref<128xi32, #tpu.memory_space<smem>>) -> (i32, i32, i32) {
    %c0_i32 = arith.constant 0 : i32
    %c0_i32_0 = arith.constant 0 : i32
    %c0_i32_1 = arith.constant 0 : i32
    %c0_i32_2 = arith.constant 0 : i32
    return %c0_i32, %c0_i32_0, %c0_i32_1 : i32, i32, i32
  }
  func.func @transform_5(%arg0: i32, %arg1: memref<128xi32, #tpu.memory_space<smem>>, %arg2: memref<128xi32, #tpu.memory_space<smem>>) -> (i32, i32) {
    %c0_i32 = arith.constant 0 : i32
    %c0_i32_0 = arith.constant 0 : i32
    %c0_i32_1 = arith.constant 0 : i32
    return %c0_i32, %c0_i32_0 : i32, i32
  }
}

module attributes {stable_mosaic.version = 14 : i64} {
  func.func @_route1_body(%arg0: memref<2048x768xf32, #tpu.memory_space<vmem>>, %arg1: memref<768x64xf32, #tpu.memory_space<vmem>>, %arg2: memref<1x64xf32, #tpu.memory_space<vmem>>, %arg3: memref<2048x1xi32, #tpu.memory_space<vmem>>, %arg4: memref<128x1xi32, #tpu.memory_space<vmem>>, %arg5: memref<128x1xi32, #tpu.memory_space<vmem>>) attributes {dimension_semantics = [], scalar_prefetch = 0 : i64, scratch_operands = 0 : i64, tpu.core_type = #tpu.core_type<tc>} {
    %get3A = arith.constant 0 : index
    %get3A_0 = arith.constant 0 : index
    %get3A_1 = vector.load %arg0[%get3A, %get3A_0] : memref<2048x768xf32, #tpu.memory_space<vmem>>, vector<2048x768xf32>
    %get3A_2 = arith.constant 0 : index
    %get3A_3 = arith.constant 0 : index
    %get3A_4 = vector.load %arg1[%get3A_2, %get3A_3] : memref<768x64xf32, #tpu.memory_space<vmem>>, vector<768x64xf32>
    %dot_general3A = arith.constant dense<0.000000e+00> : vector<2048x64xf32>
    %dot_general3A_5 = tpu.matmul %get3A_1, %get3A_4, %dot_general3A {dimension_numbers = #tpu.dot_dimension_numbers<[1], [0], [0], [1], [0, 0, 1, 1], [], []>, transpose_lhs_hint = false} : vector<2048x768xf32>, vector<768x64xf32>, vector<2048x64xf32> -> vector<2048x64xf32>
    %get3A_6 = arith.constant 0 : index
    %get3A_7 = arith.constant 0 : index
    %get3A_8 = vector.load %arg2[%get3A_6, %get3A_7] : memref<1x64xf32, #tpu.memory_space<vmem>>, vector<1x64xf32>
    %add3A = vector.broadcast %get3A_8 : vector<1x64xf32> to vector<2048x64xf32>
    %add3A_9 = arith.addf %dot_general3A_5, %add3A : vector<2048x64xf32>
    %reduce_max3A = arith.constant dense<0xFF800000> : vector<2048xf32>
    %reduce_max3A_10 = vector.multi_reduction <maximumf>, %add3A_9, %reduce_max3A [1] : vector<2048x64xf32> to vector<2048xf32>
    %broadcast_in_dim3A = vector.shape_cast %reduce_max3A_10 : vector<2048xf32> to vector<2048x1xf32>
    %iota3A = tpu.iota {dimensions = array<i32: 1>} : vector<2048x64xi32>
    %ge3A = vector.broadcast %broadcast_in_dim3A : vector<2048x1xf32> to vector<2048x64xf32>
    %ge3A_11 = arith.cmpf oge, %add3A_9, %ge3A : vector<2048x64xf32>
    %jit3A = arith.constant 64 : i32
    %broadcast_in_dim3A_12 = vector.broadcast %jit3A : i32 to vector<2048x64xi32>
    %select_n3A = arith.select %ge3A_11, %iota3A, %broadcast_in_dim3A_12 : vector<2048x64xi1>, vector<2048x64xi32>
    %reduce_min3A = arith.constant dense<2147483647> : vector<2048xi32>
    %reduce_min3A_13 = vector.multi_reduction <minsi>, %select_n3A, %reduce_min3A [1] : vector<2048x64xi32> to vector<2048xi32>
    %broadcast_in_dim3A_14 = vector.shape_cast %reduce_min3A_13 : vector<2048xi32> to vector<2048x1xi32>
    %eq3A = vector.broadcast %broadcast_in_dim3A_14 : vector<2048x1xi32> to vector<2048x64xi32>
    %eq3A_15 = arith.cmpi eq, %iota3A, %eq3A : vector<2048x64xi32>
    %convert_element_type3A = arith.extui %eq3A_15 : vector<2048x64xi1> to vector<2048x64xi32>
    %convert_element_type3A_16 = arith.sitofp %convert_element_type3A : vector<2048x64xi32> to vector<2048x64xf32>
    %reduce_sum3A = arith.constant dense<0.000000e+00> : vector<64xf32>
    %reduce_sum3A_17 = vector.multi_reduction <add>, %convert_element_type3A_16, %reduce_sum3A [0] : vector<2048x64xf32> to vector<64xf32>
    %broadcast_in_dim3A_18 = vector.shape_cast %reduce_sum3A_17 : vector<64xf32> to vector<1x64xf32>
    %iota3A_19 = tpu.iota {dimensions = array<i32: 0>} : vector<2048x2048xi32>
    %iota3A_20 = tpu.iota {dimensions = array<i32: 1>} : vector<2048x2048xi32>
    %lt3A = arith.cmpi slt, %iota3A_20, %iota3A_19 : vector<2048x2048xi32>
    %convert_element_type3A_21 = arith.extui %lt3A : vector<2048x2048xi1> to vector<2048x2048xi32>
    %convert_element_type3A_22 = arith.sitofp %convert_element_type3A_21 : vector<2048x2048xi32> to vector<2048x2048xf32>
    %dot_general3A_23 = arith.constant dense<0.000000e+00> : vector<2048x64xf32>
    %dot_general3A_24 = tpu.matmul %convert_element_type3A_22, %convert_element_type3A_16, %dot_general3A_23 {dimension_numbers = #tpu.dot_dimension_numbers<[1], [0], [0], [1], [0, 0, 1, 1], [], []>, transpose_lhs_hint = false} : vector<2048x2048xf32>, vector<2048x64xf32>, vector<2048x64xf32> -> vector<2048x64xf32>
    %mul3A = arith.mulf %dot_general3A_24, %convert_element_type3A_16 : vector<2048x64xf32>
    %reduce_sum3A_25 = arith.constant dense<0.000000e+00> : vector<2048xf32>
    %reduce_sum3A_26 = vector.multi_reduction <add>, %mul3A, %reduce_sum3A_25 [1] : vector<2048x64xf32> to vector<2048xf32>
    %broadcast_in_dim3A_27 = vector.shape_cast %reduce_sum3A_26 : vector<2048xf32> to vector<2048x1xf32>
    %convert_element_type3A_28 = arith.fptosi %broadcast_in_dim3A_18 : vector<1x64xf32> to vector<1x64xi32>
    %add3A_29 = arith.constant 7 : i32
    %add3A_30 = vector.broadcast %add3A_29 : i32 to vector<1x64xi32>
    %add3A_31 = arith.addi %convert_element_type3A_28, %add3A_30 : vector<1x64xi32>
    %jit3A_32 = arith.constant 8 : i32
    %div3A = vector.broadcast %jit3A_32 : i32 to vector<1x64xi32>
    %div3A_33 = arith.divsi %add3A_31, %div3A : vector<1x64xi32>
    %sign3A = arith.constant 0 : i32
    %sign3A_34 = vector.broadcast %sign3A : i32 to vector<1x64xi32>
    %sign3A_35 = arith.cmpi sgt, %add3A_31, %sign3A_34 : vector<1x64xi32>
    %sign3A_36 = arith.extui %sign3A_35 : vector<1x64xi1> to vector<1x64xi32>
    %sign3A_37 = arith.constant 0 : i32
    %sign3A_38 = vector.broadcast %sign3A_37 : i32 to vector<1x64xi32>
    %sign3A_39 = arith.cmpi slt, %add3A_31, %sign3A_38 : vector<1x64xi32>
    %sign3A_40 = arith.extui %sign3A_39 : vector<1x64xi1> to vector<1x64xi32>
    %sign3A_41 = arith.subi %sign3A_36, %sign3A_40 : vector<1x64xi32>
    %sign3A_42 = arith.constant 0 : i32
    %sign3A_43 = arith.cmpi sgt, %jit3A_32, %sign3A_42 : i32
    %sign3A_44 = arith.extui %sign3A_43 : i1 to i32
    %sign3A_45 = arith.constant 0 : i32
    %sign3A_46 = arith.cmpi slt, %jit3A_32, %sign3A_45 : i32
    %sign3A_47 = arith.extui %sign3A_46 : i1 to i32
    %sign3A_48 = arith.subi %sign3A_44, %sign3A_47 : i32
    %ne3A = vector.broadcast %sign3A_48 : i32 to vector<1x64xi32>
    %ne3A_49 = arith.cmpi ne, %sign3A_41, %ne3A : vector<1x64xi32>
    %rem3A = vector.broadcast %jit3A_32 : i32 to vector<1x64xi32>
    %rem3A_50 = arith.remsi %add3A_31, %rem3A : vector<1x64xi32>
    %ne3A_51 = arith.constant 0 : i32
    %ne3A_52 = vector.broadcast %ne3A_51 : i32 to vector<1x64xi32>
    %ne3A_53 = arith.cmpi ne, %rem3A_50, %ne3A_52 : vector<1x64xi32>
    %and3A = arith.andi %ne3A_49, %ne3A_53 : vector<1x64xi1>
    %sub3A = arith.constant 1 : i32
    %sub3A_54 = vector.broadcast %sub3A : i32 to vector<1x64xi32>
    %sub3A_55 = arith.subi %div3A_33, %sub3A_54 : vector<1x64xi32>
    %select_n3A_56 = arith.select %and3A, %sub3A_55, %div3A_33 : vector<1x64xi1>, vector<1x64xi32>
    %mul3A_57 = arith.constant 8 : i32
    %mul3A_58 = vector.broadcast %mul3A_57 : i32 to vector<1x64xi32>
    %mul3A_59 = arith.muli %select_n3A_56, %mul3A_58 : vector<1x64xi32>
    %convert_element_type3A_60 = arith.sitofp %mul3A_59 : vector<1x64xi32> to vector<1x64xf32>
    %iota3A_61 = tpu.iota {dimensions = array<i32: 0>} : vector<64x64xi32>
    %iota3A_62 = tpu.iota {dimensions = array<i32: 1>} : vector<64x64xi32>
    %lt3A_63 = arith.cmpi slt, %iota3A_61, %iota3A_62 : vector<64x64xi32>
    %convert_element_type3A_64 = arith.extui %lt3A_63 : vector<64x64xi1> to vector<64x64xi32>
    %convert_element_type3A_65 = arith.sitofp %convert_element_type3A_64 : vector<64x64xi32> to vector<64x64xf32>
    %dot_general3A_66 = arith.constant dense<0.000000e+00> : vector<1x64xf32>
    %dot_general3A_67 = tpu.matmul %convert_element_type3A_60, %convert_element_type3A_65, %dot_general3A_66 {dimension_numbers = #tpu.dot_dimension_numbers<[1], [0], [0], [1], [0, 0, 1, 1], [], []>, precision = #tpu.contract_precision<fp32>, transpose_lhs_hint = false} : vector<1x64xf32>, vector<64x64xf32>, vector<1x64xf32> -> vector<1x64xf32>
    %mul3A_68 = vector.broadcast %dot_general3A_67 : vector<1x64xf32> to vector<2048x64xf32>
    %mul3A_69 = arith.mulf %convert_element_type3A_16, %mul3A_68 : vector<2048x64xf32>
    %reduce_sum3A_70 = arith.constant dense<0.000000e+00> : vector<2048xf32>
    %reduce_sum3A_71 = vector.multi_reduction <add>, %mul3A_69, %reduce_sum3A_70 [1] : vector<2048x64xf32> to vector<2048xf32>
    %broadcast_in_dim3A_72 = vector.shape_cast %reduce_sum3A_71 : vector<2048xf32> to vector<2048x1xf32>
    %add3A_73 = arith.addf %broadcast_in_dim3A_72, %broadcast_in_dim3A_27 : vector<2048x1xf32>
    %convert_element_type3A_74 = arith.fptosi %broadcast_in_dim3A_18 : vector<1x64xf32> to vector<1x64xi32>
    %convert_element_type3A_75 = arith.fptosi %convert_element_type3A_60 : vector<1x64xf32> to vector<1x64xi32>
    %gt3A = arith.constant 0 : i32
    %gt3A_76 = vector.broadcast %gt3A : i32 to vector<1x64xi32>
    %gt3A_77 = arith.cmpi sgt, %convert_element_type3A_74, %gt3A_76 : vector<1x64xi32>
    %add3A_78 = arith.constant 128 : i32
    %add3A_79 = vector.broadcast %add3A_78 : i32 to vector<1x64xi32>
    %add3A_80 = arith.addi %convert_element_type3A_75, %add3A_79 : vector<1x64xi32>
    %sub3A_81 = arith.constant 1 : i32
    %sub3A_82 = vector.broadcast %sub3A_81 : i32 to vector<1x64xi32>
    %sub3A_83 = arith.subi %add3A_80, %sub3A_82 : vector<1x64xi32>
    %jit3A_84 = arith.constant 128 : i32
    %div3A_85 = vector.broadcast %jit3A_84 : i32 to vector<1x64xi32>
    %div3A_86 = arith.divsi %sub3A_83, %div3A_85 : vector<1x64xi32>
    %sign3A_87 = arith.constant 0 : i32
    %sign3A_88 = vector.broadcast %sign3A_87 : i32 to vector<1x64xi32>
    %sign3A_89 = arith.cmpi sgt, %sub3A_83, %sign3A_88 : vector<1x64xi32>
    %sign3A_90 = arith.extui %sign3A_89 : vector<1x64xi1> to vector<1x64xi32>
    %sign3A_91 = arith.constant 0 : i32
    %sign3A_92 = vector.broadcast %sign3A_91 : i32 to vector<1x64xi32>
    %sign3A_93 = arith.cmpi slt, %sub3A_83, %sign3A_92 : vector<1x64xi32>
    %sign3A_94 = arith.extui %sign3A_93 : vector<1x64xi1> to vector<1x64xi32>
    %sign3A_95 = arith.subi %sign3A_90, %sign3A_94 : vector<1x64xi32>
    %sign3A_96 = arith.constant 0 : i32
    %sign3A_97 = arith.cmpi sgt, %jit3A_84, %sign3A_96 : i32
    %sign3A_98 = arith.extui %sign3A_97 : i1 to i32
    %sign3A_99 = arith.constant 0 : i32
    %sign3A_100 = arith.cmpi slt, %jit3A_84, %sign3A_99 : i32
    %sign3A_101 = arith.extui %sign3A_100 : i1 to i32
    %sign3A_102 = arith.subi %sign3A_98, %sign3A_101 : i32
    %ne3A_103 = vector.broadcast %sign3A_102 : i32 to vector<1x64xi32>
    %ne3A_104 = arith.cmpi ne, %sign3A_95, %ne3A_103 : vector<1x64xi32>
    %rem3A_105 = vector.broadcast %jit3A_84 : i32 to vector<1x64xi32>
    %rem3A_106 = arith.remsi %sub3A_83, %rem3A_105 : vector<1x64xi32>
    %ne3A_107 = arith.constant 0 : i32
    %ne3A_108 = vector.broadcast %ne3A_107 : i32 to vector<1x64xi32>
    %ne3A_109 = arith.cmpi ne, %rem3A_106, %ne3A_108 : vector<1x64xi32>
    %and3A_110 = arith.andi %ne3A_104, %ne3A_109 : vector<1x64xi1>
    %sub3A_111 = arith.constant 1 : i32
    %sub3A_112 = vector.broadcast %sub3A_111 : i32 to vector<1x64xi32>
    %sub3A_113 = arith.subi %div3A_86, %sub3A_112 : vector<1x64xi32>
    %select_n3A_114 = arith.select %and3A_110, %sub3A_113, %div3A_86 : vector<1x64xi1>, vector<1x64xi32>
    %jit3A_115 = arith.constant 0 : i32
    %broadcast_in_dim3A_116 = vector.broadcast %jit3A_115 : i32 to vector<1x64xi32>
    %select_n3A_117 = arith.select %gt3A_77, %select_n3A_114, %broadcast_in_dim3A_116 : vector<1x64xi1>, vector<1x64xi32>
    %le3A = arith.cmpi sle, %iota3A_61, %iota3A_62 : vector<64x64xi32>
    %convert_element_type3A_118 = arith.extui %le3A : vector<64x64xi1> to vector<64x64xi32>
    %convert_element_type3A_119 = arith.sitofp %convert_element_type3A_118 : vector<64x64xi32> to vector<64x64xf32>
    %convert_element_type3A_120 = arith.sitofp %select_n3A_117 : vector<1x64xi32> to vector<1x64xf32>
    %dot_general3A_121 = arith.constant dense<0.000000e+00> : vector<1x64xf32>
    %dot_general3A_122 = tpu.matmul %convert_element_type3A_120, %convert_element_type3A_119, %dot_general3A_121 {dimension_numbers = #tpu.dot_dimension_numbers<[1], [0], [0], [1], [0, 0, 1, 1], [], []>, precision = #tpu.contract_precision<fp32>, transpose_lhs_hint = false} : vector<1x64xf32>, vector<64x64xf32>, vector<1x64xf32> -> vector<1x64xf32>
    %convert_element_type3A_123 = arith.sitofp %select_n3A_117 : vector<1x64xi32> to vector<1x64xf32>
    %sub3A_124 = arith.subf %dot_general3A_122, %convert_element_type3A_123 : vector<1x64xf32>
    %reduce_max3A_125 = vector.shape_cast %dot_general3A_122 : vector<1x64xf32> to vector<1x1x64xf32>
    %reduce_max3A_126 = arith.constant dense<0xFF800000> : vector<1xf32>
    %reduce_max3A_127 = vector.multi_reduction <maximumf>, %reduce_max3A_125, %reduce_max3A_126 [1, 2] : vector<1x1x64xf32> to vector<1xf32>
    %reduce_max3A_128 = vector.shape_cast %reduce_max3A_127 : vector<1xf32> to vector<1x1x1xf32>
    %reduce_max3A_129 = vector.extract %reduce_max3A_128[0, 0, 0] : f32 from vector<1x1x1xf32>
    %iota3A_130 = tpu.iota {dimensions = array<i32: 0>} : vector<128x64xi32>
    %broadcast_in_dim3A_131 = vector.shape_cast %dot_general3A_122 : vector<1x64xf32> to vector<1x64xf32>
    %broadcast_in_dim3A_132 = vector.broadcast %broadcast_in_dim3A_131 : vector<1x64xf32> to vector<128x64xf32>
    %convert_element_type3A_133 = arith.sitofp %iota3A_130 : vector<128x64xi32> to vector<128x64xf32>
    %le3A_134 = arith.cmpf ole, %broadcast_in_dim3A_132, %convert_element_type3A_133 : vector<128x64xf32>
    %convert_element_type3A_135 = arith.extui %le3A_134 : vector<128x64xi1> to vector<128x64xi32>
    %reduce_sum3A_136 = arith.constant dense<0> : vector<128xi32>
    %reduce_sum3A_137 = vector.multi_reduction <add>, %convert_element_type3A_135, %reduce_sum3A_136 [1] : vector<128x64xi32> to vector<128xi32>
    %broadcast_in_dim3A_138 = vector.shape_cast %reduce_sum3A_137 : vector<128xi32> to vector<128x1xi32>
    %min3A = arith.constant 63 : i32
    %min3A_139 = vector.broadcast %min3A : i32 to vector<128x1xi32>
    %min3A_140 = arith.minsi %broadcast_in_dim3A_138, %min3A_139 : vector<128x1xi32>
    %iota3A_141 = tpu.iota {dimensions = array<i32: 1>} : vector<128x64xi32>
    %eq3A_142 = vector.broadcast %min3A_140 : vector<128x1xi32> to vector<128x64xi32>
    %eq3A_143 = arith.cmpi eq, %iota3A_141, %eq3A_142 : vector<128x64xi32>
    %convert_element_type3A_144 = arith.extui %eq3A_143 : vector<128x64xi1> to vector<128x64xi32>
    %convert_element_type3A_145 = arith.sitofp %convert_element_type3A_144 : vector<128x64xi32> to vector<128x64xf32>
    %mul3A_146 = vector.broadcast %dot_general3A_67 : vector<1x64xf32> to vector<128x64xf32>
    %mul3A_147 = arith.mulf %convert_element_type3A_145, %mul3A_146 : vector<128x64xf32>
    %reduce_sum3A_148 = arith.constant dense<0.000000e+00> : vector<128xf32>
    %reduce_sum3A_149 = vector.multi_reduction <add>, %mul3A_147, %reduce_sum3A_148 [1] : vector<128x64xf32> to vector<128xf32>
    %broadcast_in_dim3A_150 = vector.shape_cast %reduce_sum3A_149 : vector<128xf32> to vector<128x1xf32>
    %mul3A_151 = vector.broadcast %sub3A_124 : vector<1x64xf32> to vector<128x64xf32>
    %mul3A_152 = arith.mulf %convert_element_type3A_145, %mul3A_151 : vector<128x64xf32>
    %reduce_sum3A_153 = arith.constant dense<0.000000e+00> : vector<128xf32>
    %reduce_sum3A_154 = vector.multi_reduction <add>, %mul3A_152, %reduce_sum3A_153 [1] : vector<128x64xf32> to vector<128xf32>
    %broadcast_in_dim3A_155 = vector.shape_cast %reduce_sum3A_154 : vector<128xf32> to vector<128x1xf32>
    %iota3A_156 = tpu.iota {dimensions = array<i32: 0>} : vector<128x1xi32>
    %convert_element_type3A_157 = arith.sitofp %iota3A_156 : vector<128x1xi32> to vector<128x1xf32>
    %lt3A_158 = vector.broadcast %reduce_max3A_129 : f32 to vector<128x1xf32>
    %lt3A_159 = arith.cmpf olt, %convert_element_type3A_157, %lt3A_158 : vector<128x1xf32>
    %jit3A_160 = arith.constant -1 : i32
    %broadcast_in_dim3A_161 = vector.broadcast %jit3A_160 : i32 to vector<128x1xi32>
    %select_n3A_162 = arith.select %lt3A_159, %min3A_140, %broadcast_in_dim3A_161 : vector<128x1xi1>, vector<128x1xi32>
    %reduce_max3A_163 = vector.shape_cast %select_n3A_162 : vector<128x1xi32> to vector<1x128x1xi32>
    %reduce_max3A_164 = arith.constant dense<-2147483648> : vector<1xi32>
    %reduce_max3A_165 = vector.multi_reduction <maxsi>, %reduce_max3A_163, %reduce_max3A_164 [1, 2] : vector<1x128x1xi32> to vector<1xi32>
    %reduce_max3A_166 = vector.shape_cast %reduce_max3A_165 : vector<1xi32> to vector<1x1x1xi32>
    %reduce_max3A_167 = vector.extract %reduce_max3A_166[0, 0, 0] : i32 from vector<1x1x1xi32>
    %broadcast_in_dim3A_168 = vector.broadcast %reduce_max3A_167 : i32 to vector<128x1xi32>
    %select_n3A_169 = arith.select %lt3A_159, %min3A_140, %broadcast_in_dim3A_168 : vector<128x1xi1>, vector<128x1xi32>
    %convert_element_type3A_170 = arith.sitofp %iota3A_156 : vector<128x1xi32> to vector<128x1xf32>
    %sub3A_171 = arith.subf %convert_element_type3A_170, %broadcast_in_dim3A_155 : vector<128x1xf32>
    %mul3A_172 = arith.constant 1.280000e+02 : f32
    %mul3A_173 = vector.broadcast %mul3A_172 : f32 to vector<128x1xf32>
    %mul3A_174 = arith.mulf %sub3A_171, %mul3A_173 : vector<128x1xf32>
    %add3A_175 = arith.addf %broadcast_in_dim3A_150, %mul3A_174 : vector<128x1xf32>
    %convert_element_type3A_176 = arith.fptosi %add3A_175 : vector<128x1xf32> to vector<128x1xi32>
    %jit3A_177 = arith.constant 2688 : i32
    %broadcast_in_dim3A_178 = vector.broadcast %jit3A_177 : i32 to vector<128x1xi32>
    %select_n3A_179 = arith.select %lt3A_159, %convert_element_type3A_176, %broadcast_in_dim3A_178 : vector<128x1xi1>, vector<128x1xi32>
    %convert_element_type3A_180 = arith.fptosi %add3A_73 : vector<2048x1xf32> to vector<2048x1xi32>
    %swap3A = arith.constant 0 : index
    %swap3A_181 = arith.constant 0 : index
    %swap3A_182 = vector.load %arg3[%swap3A, %swap3A_181] : memref<2048x1xi32, #tpu.memory_space<vmem>>, vector<2048x1xi32>
    tpu.vector_store %arg3[%swap3A, %swap3A_181], %convert_element_type3A_180 {strides = array<i32>} : memref<2048x1xi32, #tpu.memory_space<vmem>>, vector<2048x1xi32>,
    %swap3A_183 = arith.constant 0 : index
    %swap3A_184 = arith.constant 0 : index
    %swap3A_185 = vector.load %arg4[%swap3A_183, %swap3A_184] : memref<128x1xi32, #tpu.memory_space<vmem>>, vector<128x1xi32>
    tpu.vector_store %arg4[%swap3A_183, %swap3A_184], %select_n3A_169 {strides = array<i32>} : memref<128x1xi32, #tpu.memory_space<vmem>>, vector<128x1xi32>,
    %swap3A_186 = arith.constant 0 : index
    %swap3A_187 = arith.constant 0 : index
    %swap3A_188 = vector.load %arg5[%swap3A_186, %swap3A_187] : memref<128x1xi32, #tpu.memory_space<vmem>>, vector<128x1xi32>
    tpu.vector_store %arg5[%swap3A_186, %swap3A_187], %select_n3A_179 {strides = array<i32>} : memref<128x1xi32, #tpu.memory_space<vmem>>, vector<128x1xi32>,
    return
  }
}

module attributes {stable_mosaic.version = 14 : i64} {
  func.func @_ffn_body(%arg0: i32, %arg1: memref<128xi32, #tpu.memory_space<smem>>, %arg2: memref<128xi32, #tpu.memory_space<smem>>, %arg3: memref<2816x768xf32, #tpu.memory_space<vmem>>, %arg4: memref<1x1x768x1024xf32, #tpu.memory_space<vmem>>, %arg5: memref<1x64x1024xf32, #tpu.memory_space<vmem>>, %arg6: memref<1x1x1024x768xf32, #tpu.memory_space<vmem>>, %arg7: memref<1x64x768xf32, #tpu.memory_space<vmem>>, %arg8: memref<2816x768xf32, #tpu.memory_space<vmem>>) attributes {dimension_semantics = [#tpu.dimension_semantics<arbitrary>], iteration_bounds = array<i64: 80>, scalar_prefetch = 2 : i64, scratch_operands = 0 : i64, tpu.core_type = #tpu.core_type<tc>, window_params = [{pipeline_mode = #tpu.pipeline_mode<synchronous>, transform_indices = @transform_0, window_bounds = array<i64: 2816, 768>}, {transform_indices = @transform_1, window_bounds = array<i64: 1, 1, 768, 1024>}, {transform_indices = @transform_2, window_bounds = array<i64: 1, 64, 1024>}, {transform_indices = @transform_3, window_bounds = array<i64: 1, 1, 1024, 768>}, {transform_indices = @transform_4, window_bounds = array<i64: 1, 64, 768>}, {pipeline_mode = #tpu.pipeline_mode<synchronous>, transform_indices = @transform_5, window_bounds = array<i64: 2816, 768>}]} {
    %get3A = arith.index_cast %arg0 : i32 to index
    %get3A_0 = memref.load %arg1[%get3A] : memref<128xi32, #tpu.memory_space<smem>>
    %get3A_1 = arith.index_cast %arg0 : i32 to index
    %get3A_2 = memref.load %arg2[%get3A_1] : memref<128xi32, #tpu.memory_space<smem>>
    %multiple_of3A = tpu.assume_multiple %get3A_2, 8 : i32
    %get3A_3 = arith.index_cast %multiple_of3A : i32 to index
    %get3A_4 = arith.constant 0 : index
    %get3A_5 = vector.load %arg3[%get3A_3, %get3A_4] : memref<2816x768xf32, #tpu.memory_space<vmem>>, vector<128x768xf32>
    %get3A_6 = arith.constant 0 : index
    %get3A_7 = arith.constant 0 : index
    %get3A_8 = arith.constant 0 : index
    %get3A_9 = arith.constant 0 : index
    %get3A_10 = vector.load %arg4[%get3A_6, %get3A_7, %get3A_8, %get3A_9] : memref<1x1x768x1024xf32, #tpu.memory_space<vmem>>, vector<1x1x768x1024xf32>
    %get3A_11 = vector.shape_cast %get3A_10 : vector<1x1x768x1024xf32> to vector<768x1024xf32>
    %dot_general3A = arith.constant dense<0.000000e+00> : vector<128x1024xf32>
    %dot_general3A_12 = tpu.matmul %get3A_5, %get3A_11, %dot_general3A {dimension_numbers = #tpu.dot_dimension_numbers<[1], [0], [0], [1], [0, 0, 1, 1], [], []>, transpose_lhs_hint = false} : vector<128x768xf32>, vector<768x1024xf32>, vector<128x1024xf32> -> vector<128x1024xf32>
    %get3A_13 = arith.constant 0 : index
    %get3A_14 = arith.index_cast %get3A_0 : i32 to index
    %get3A_15 = arith.constant 0 : index
    %get3A_16 = vector.load %arg5[%get3A_13, %get3A_14, %get3A_15] : memref<1x64x1024xf32, #tpu.memory_space<vmem>>, vector<1x1x1024xf32>
    %get3A_17 = vector.shape_cast %get3A_16 : vector<1x1x1024xf32> to vector<1x1024xf32>
    %add3A = vector.broadcast %get3A_17 : vector<1x1024xf32> to vector<128x1024xf32>
    %add3A_18 = arith.addf %dot_general3A_12, %add3A : vector<128x1024xf32>
    %mul3A = arith.constant 5.000000e-01 : f32
    %mul3A_19 = vector.broadcast %mul3A : f32 to vector<128x1024xf32>
    %mul3A_20 = arith.mulf %mul3A_19, %add3A_18 : vector<128x1024xf32>
    %mul3A_21 = arith.constant 0.707106769 : f32
    %mul3A_22 = vector.broadcast %mul3A_21 : f32 to vector<128x1024xf32>
    %mul3A_23 = arith.mulf %add3A_18, %mul3A_22 : vector<128x1024xf32>
    %erf3A = math.erf %mul3A_23 : vector<128x1024xf32>
    %add3A_24 = arith.constant 1.000000e+00 : f32
    %add3A_25 = vector.broadcast %add3A_24 : f32 to vector<128x1024xf32>
    %add3A_26 = arith.addf %add3A_25, %erf3A : vector<128x1024xf32>
    %mul3A_27 = arith.mulf %mul3A_20, %add3A_26 : vector<128x1024xf32>
    %get3A_28 = arith.constant 0 : index
    %get3A_29 = arith.constant 0 : index
    %get3A_30 = arith.constant 0 : index
    %get3A_31 = arith.constant 0 : index
    %get3A_32 = vector.load %arg6[%get3A_28, %get3A_29, %get3A_30, %get3A_31] : memref<1x1x1024x768xf32, #tpu.memory_space<vmem>>, vector<1x1x1024x768xf32>
    %get3A_33 = vector.shape_cast %get3A_32 : vector<1x1x1024x768xf32> to vector<1024x768xf32>
    %dot_general3A_34 = arith.constant dense<0.000000e+00> : vector<128x768xf32>
    %dot_general3A_35 = tpu.matmul %mul3A_27, %get3A_33, %dot_general3A_34 {dimension_numbers = #tpu.dot_dimension_numbers<[1], [0], [0], [1], [0, 0, 1, 1], [], []>, transpose_lhs_hint = false} : vector<128x1024xf32>, vector<1024x768xf32>, vector<128x768xf32> -> vector<128x768xf32>
    %get3A_36 = arith.constant 0 : index
    %get3A_37 = arith.index_cast %get3A_0 : i32 to index
    %get3A_38 = arith.constant 0 : index
    %get3A_39 = vector.load %arg7[%get3A_36, %get3A_37, %get3A_38] : memref<1x64x768xf32, #tpu.memory_space<vmem>>, vector<1x1x768xf32>
    %get3A_40 = vector.shape_cast %get3A_39 : vector<1x1x768xf32> to vector<1x768xf32>
    %add3A_41 = vector.broadcast %get3A_40 : vector<1x768xf32> to vector<128x768xf32>
    %add3A_42 = arith.addf %dot_general3A_35, %add3A_41 : vector<128x768xf32>
    %add3A_43 = arith.addf %add3A_42, %get3A_5 : vector<128x768xf32>
    %swap3A = arith.index_cast %multiple_of3A : i32 to index
    %swap3A_44 = arith.constant 0 : index
    %swap3A_45 = vector.load %arg8[%swap3A, %swap3A_44] : memref<2816x768xf32, #tpu.memory_space<vmem>>, vector<128x768xf32>
    tpu.vector_store %arg8[%swap3A, %swap3A_44], %add3A_43 {strides = array<i32>} : memref<2816x768xf32, #tpu.memory_space<vmem>>, vector<128x768xf32>,
    return
  }
  func.func @transform_0(%arg0: i32, %arg1: memref<128xi32, #tpu.memory_space<smem>>, %arg2: memref<128xi32, #tpu.memory_space<smem>>) -> (i32, i32) {
    %c0_i32 = arith.constant 0 : i32
    %c0_i32_0 = arith.constant 0 : i32
    %c0_i32_1 = arith.constant 0 : i32
    return %c0_i32, %c0_i32_0 : i32, i32
  }
  func.func @transform_1(%arg0: i32, %arg1: memref<128xi32, #tpu.memory_space<smem>>, %arg2: memref<128xi32, #tpu.memory_space<smem>>) -> (i32, i32, i32, i32) {
    %get3A = arith.index_cast %arg0 : i32 to index
    %get3A_0 = memref.load %arg1[%get3A] : memref<128xi32, #tpu.memory_space<smem>>
    %c1_i32 = arith.constant 1 : i32
    %c0_i32 = arith.constant 0 : i32
    %c0_i32_1 = arith.constant 0 : i32
    %c0_i32_2 = arith.constant 0 : i32
    return %c1_i32, %get3A_0, %c0_i32, %c0_i32_1 : i32, i32, i32, i32
  }
  func.func @transform_2(%arg0: i32, %arg1: memref<128xi32, #tpu.memory_space<smem>>, %arg2: memref<128xi32, #tpu.memory_space<smem>>) -> (i32, i32, i32) {
    %c1_i32 = arith.constant 1 : i32
    %c0_i32 = arith.constant 0 : i32
    %c0_i32_0 = arith.constant 0 : i32
    %c0_i32_1 = arith.constant 0 : i32
    return %c1_i32, %c0_i32, %c0_i32_0 : i32, i32, i32
  }
  func.func @transform_3(%arg0: i32, %arg1: memref<128xi32, #tpu.memory_space<smem>>, %arg2: memref<128xi32, #tpu.memory_space<smem>>) -> (i32, i32, i32, i32) {
    %get3A = arith.index_cast %arg0 : i32 to index
    %get3A_0 = memref.load %arg1[%get3A] : memref<128xi32, #tpu.memory_space<smem>>
    %c1_i32 = arith.constant 1 : i32
    %c0_i32 = arith.constant 0 : i32
    %c0_i32_1 = arith.constant 0 : i32
    %c0_i32_2 = arith.constant 0 : i32
    return %c1_i32, %get3A_0, %c0_i32, %c0_i32_1 : i32, i32, i32, i32
  }
  func.func @transform_4(%arg0: i32, %arg1: memref<128xi32, #tpu.memory_space<smem>>, %arg2: memref<128xi32, #tpu.memory_space<smem>>) -> (i32, i32, i32) {
    %c1_i32 = arith.constant 1 : i32
    %c0_i32 = arith.constant 0 : i32
    %c0_i32_0 = arith.constant 0 : i32
    %c0_i32_1 = arith.constant 0 : i32
    return %c1_i32, %c0_i32, %c0_i32_0 : i32, i32, i32
  }
  func.func @transform_5(%arg0: i32, %arg1: memref<128xi32, #tpu.memory_space<smem>>, %arg2: memref<128xi32, #tpu.memory_space<smem>>) -> (i32, i32) {
    %c0_i32 = arith.constant 0 : i32
    %c0_i32_0 = arith.constant 0 : i32
    %c0_i32_1 = arith.constant 0 : i32
    return %c0_i32, %c0_i32_0 : i32, i32
  }
}

</mosaic_0001>

<sc_bundles>
// kernel: kernel.10.cloned.1.call-start
scs
__scs_entry_jumppad:
0x0: {  	(pc) =	sbr.rel $0x88, $3  }
0x1: {  	(tag) =	ssettag $0x0;
	lr =	simm.s32 $0x1  }
0x2: {  	[smem:$0x3F99] =	sst lr;
	_ =	strace $0xD0000000  }
0x3: {  	_ = 	snop  }
0x4: {  	_ = 	snop  }
0x5: {  	_ = 	snop  }
0x6: {  	_ = 	snop  }
0x7: {  	_ = 	snop  }
__scs_overlays_trampoline_lowered:
0x8: {  	[smem:$0x3FA8] =	sst s0  }
0x9: {  	[smem:$0x3FA9] =	sst s1  }
0xa: {  	[smem:$0x3FAA] =	sst s2  }
0xb: {  	[smem:$0x3FAB] =	sst s3  }
0xc: {  	[smem:$0x3FAC] =	sst s4  }
0xd: {  	[smem:$0x3FAD] =	sst s5  }
0xe: {  	[smem:$0x3FAE] =	sst s6  }
0xf: {  	[smem:$0x3FAF] =	sst s7  }
0x10: {  	[smem:$0x3FB0] =	sst s8  }
0x11: {  	[smem:$0x3FB1] =	sst s9;
	s0 =	simm.s32 @!p0 $0x0  }
0x12: {  	s1 =	sld [smem:$0x3F97];
	s0 =	simm.s32 @p0 $0x1  }
0x13: {  	[smem:$0x3FB2] =	sst s0;
	s0 =	simm.s32 @!p1 $0x0  }
0x14: {  	s2 =	sld [smem:$0x3F96];
	s0 =	simm.s32 @p1 $0x1  }
0x15: {  	[smem:$0x3FB3] =	sst s0;
	s0 =	simm.s32 @!p2 $0x0  }
0x16: {  	s3 =	sld [smem:$0x3FDB];
	s0 =	simm.s32 @p2 $0x1  }
0x17: {  	s4 =	simm.s32 $0x1BF5;
	[smem:$0x3FB5] =	sst s0  }
0x18: {  	s0 =	sld [smem:$0x3F98];
	_ =	swait.ge [sflag:s4], $0x0  }
0x19: {  	s7 =	sld [smem:$0x3F99]  }
0x1a: {  	s8 =	sadd.s32 $0xFFFFE003, lr  }
0x1b: {  	s9 =	sadd.s32 $0xFFFFFEF7, lr;
	s5 =	simm.s32 $0xFFFFFFFF;
	p2 =	slt.u32 s8, $0xFFFFF086  }
0x1c: {  	p1 =	slt.u32 s9, $0xF7A;
	s5 =	simm.s32 @!p2 $0x0  }
0x1d: {  	s5 =	simm.s32 @p1 $0x1;
	p0 =	seq.s32 s7, s2  }
0x1e: {  	s7 =	smul.u32 @!p0 $0xF7A, s2;
	p2 =	seq.s32 @!p0 s5, $0x0  }
0x1f: {  	s9 =	smul.u32 $0xF7A, s1;
	s8 =	simm.s32 @!p0 $0x1BF5;
	p2 =	por !p2, p0  }
0x20: {  	[sflag:s8] =	ssyncset.s32 @!p0 $0xFFFFF086;
	s6 =	sadd.s32 @!p0 s3, s7;
	s7 =	simm.s32 @!p0 $0x108  }
0x21: {  	s3 =	sadd.s32 s3, s9;
	s6 =	sadd.s32 @!p0 $0x88, s6;
	s7 =	simm.s32 @p2 $0x1082  }
0x22: {  	[simem:s7], [sflag:s8] =	dma.local @!p0 [hbm:s6], $0xF7A  }
0x23: {  	s9 =	sor.u32 $0xD0000000, s2;
	s6 =	simm.s32 $0x108;
	_ =	swait.ge @!p0 [sflag:s8], $0x0  }
0x24: {  	s3 =	sadd.s32 $0x88, s3;
	s6 =	simm.s32 @!p1 $0x1082;
	[sflag:s4] =	ssyncset.s32 $0xFFFFF086  }
0x25: {  	[simem:s6], [sflag:s4] =	dma.local [hbm:s3], $0xF7A  }
0x26: {  	[smem:$0x3F99] =	sst s1;
	(tag) =	ssettag s2;
	_ =	strace s9  }
0x27: {  	s1 =	sld [smem:$0x3FA9]  }
0x28: {  	s2 =	sld [smem:$0x3FAA]  }
0x29: {  	s4 =	sld [smem:$0x3FAC]  }
0x2a: {  	p0 =	seq.s32 s5, $0x0;
	s5 =	sld [smem:$0x3FAD]  }
0x2b: {  	s6 =	sld [smem:$0x3FAE]  }
0x2c: {  	s7 =	sld [smem:$0x3FAF]  }
0x2d: {  	s3 =	simm.s32 $0x108;
	s8 =	sld [smem:$0x3FB0]  }
0x2e: {  	s3 =	simm.s32 @!p0 $0x1082;
	s9 =	sld [smem:$0x3FB1]  }
0x2f: {  	lr =	sadd.s32 s0, s3;
	s0 =	sld [smem:$0x3FA8]  }
0x30: {  	s3 =	sld [smem:$0x3FAB]  }
0x31: {  	[smem:$0x3FB4] =	sst s10  }
0x32: {  	s10 =	sld [smem:$0x3FB2];
	_ =	sdelay $0x3  }
0x33: {  	p0 =	seq.s32 s10, $0x1;
	s10 =	sld [smem:$0x3FB4];
	_ =	sdelay $0x3  }
0x34: {  	[smem:$0x3FB4] =	sst s10  }
0x35: {  	s10 =	sld [smem:$0x3FB3];
	_ =	sdelay $0x3  }
0x36: {  	p1 =	seq.s32 s10, $0x1;
	s10 =	sld [smem:$0x3FB4];
	_ =	sdelay $0x3  }
0x37: {  	[smem:$0x3FB4] =	sst s10  }
0x38: {  	s10 =	sld [smem:$0x3FB5]  }
0x39: {  	_ = 	snop;
	(pc) =	sbr.ind lr, $3  }
0x3a: {  	_ = 	snop  }
0x3b: {  	_ = 	snop  }
0x3c: {  	p2 =	seq.s32 s10, $0x1;
	s10 =	sld [smem:$0x3FB4]  }
0x3d: {  	_ =	shalt  }
0x3e: {  	_ =	shalt  }
0x3f: {  	_ =	shalt  }
0x40: {  	_ =	shalt  }
0x41: {  	_ =	shalt  }
0x42: {  	_ =	shalt  }
0x43: {  	_ =	shalt  }
0x44: {  	_ =	shalt  }
0x45: {  	_ =	shalt  }
0x46: {  	_ =	shalt  }
0x47: {  	_ =	shalt  }
0x48: {  	_ =	shalt  }
0x49: {  	_ =	shalt  }
0x4a: {  	_ =	shalt  }
0x4b: {  	_ =	shalt  }
0x4c: {  	_ =	shalt  }
0x4d: {  	_ =	shalt  }
0x4e: {  	_ =	shalt  }
0x4f: {  	_ =	shalt  }
0x50: {  	_ =	shalt  }
0x51: {  	_ =	shalt  }
0x52: {  	_ =	shalt  }
0x53: {  	_ =	shalt  }
0x54: {  	_ =	shalt  }
0x55: {  	_ =	shalt  }
0x56: {  	_ =	shalt  }
0x57: {  	_ =	shalt  }
0x58: {  	_ =	shalt  }
0x59: {  	_ =	shalt  }
0x5a: {  	_ =	shalt  }
0x5b: {  	_ =	shalt  }
0x5c: {  	_ =	shalt  }
0x5d: {  	_ =	shalt  }
0x5e: {  	_ =	shalt  }
0x5f: {  	_ =	shalt  }
0x60: {  	_ =	shalt  }
0x61: {  	_ =	shalt  }
0x62: {  	_ =	shalt  }
0x63: {  	_ =	shalt  }
0x64: {  	_ =	shalt  }
0x65: {  	_ =	shalt  }
0x66: {  	_ =	shalt  }
0x67: {  	_ =	shalt  }
0x68: {  	_ =	shalt  }
0x69: {  	_ =	shalt  }
0x6a: {  	_ =	shalt  }
0x6b: {  	_ =	shalt  }
0x6c: {  	_ =	shalt  }
0x6d: {  	_ =	shalt  }
0x6e: {  	_ =	shalt  }
0x6f: {  	_ =	shalt  }
0x70: {  	_ =	shalt  }
0x71: {  	_ =	shalt  }
0x72: {  	_ =	shalt  }
0x73: {  	_ =	shalt  }
0x74: {  	_ =	shalt  }
0x75: {  	_ =	shalt  }
0x76: {  	_ =	shalt  }
0x77: {  	_ =	shalt  }
0x78: {  	_ =	shalt  }
0x79: {  	_ =	shalt  }
0x7a: {  	_ =	shalt  }
0x7b: {  	_ =	shalt  }
0x7c: {  	_ =	shalt  }
0x7d: {  	_ =	shalt  }
0x7e: {  	_ =	shalt  }
0x7f: {  	_ =	shalt  }
0x80: {  	_ =	shalt  }
0x81: {  	_ =	shalt  }
0x82: {  	_ =	shalt  }
0x83: {  	_ =	shalt  }
0x84: {  	_ =	shalt  }
0x85: {  	_ =	shalt  }
0x86: {  	_ =	shalt  }
0x87: {  	_ =	shalt  }
.Lfunc_end0:
.L_simem_size_0:
called_computation_lowered:
.L_overlay_start_0:
0x88: {  	s2 =	sld [smem:$0x3FD9]  }
0x89: {  	s3 =	sld [smem:$0x3FFE];
	_ =	sdelay $0x1  }
0x8a: {  	s1 =	srdreg.scid  }
0x8b: {  	s0 =	sand.u32 $0x1, s1  }
0x8c: {  	s17 =	sshll.u32 s0, $0xA;
	s2 =	sadd.s32 s3, s2  }
0x8d: {  	s2 =	sadd.s32 s2, s17  }
0x8e: {  	[smem:$0x3FC0] =	sst s2  }
0x8f: {  	_ = 	snop  }
0x90: {  	s2 =	sld [smem:$0x3FD0];
	(tm) =	ssettm $0x1  }
0x91: {  	s18 =	sld [smem:$0x3FFB];
	_ =	sdelay $0x3  }
0x92: {  	_ =	strace s18  }
0x93: {  	s3 =	sld [smem:$0x3FFC];
	_ =	sdelay $0x3  }
0x94: {  	_ =	strace s3  }
0x95: {  	s3 =	sld [smem:$0x3FFD];
	_ =	sdelay $0x3  }
0x96: {  	_ =	strace s3  }
0x97: {  	_ =	strace $0x8FFFFFFF  }
0x98: {  	s19 =	sld [smem:$0x3FDB];
	_ =	sdelay $0x1  }
0x99: {  	s4 =	simm.s32 $_scs_section_size  }
0x9a: {  	s5 =	simm.s32 $_size__tile_overlayer_lowered;
	s6 =	simm.s32 $_tile_overlayer_lowered  }
0x9b: {  	s22 =	simm.s32 $0x1BFF;
	s21 =	sshll.u32 s6, $0x1;
	s3 =	sadd.s32 s4, s19  }
0x9c: {  	s7 =	simm.s32 $0x0;
	s20 =	sshll.u32 s5, $0x1;
	s5 =	sadd.s32 s21, s3  }
0x9d: {  	[timem:s7], [sflag:s22] =	dma.local [hbm:s5], s20  }
0x9e: {  	_ =	swait.ge [sflag:s22], s20  }
0x9f: {  	s4 =	ssub.s32 $0x0, s20;
	[sflag:s22] =	ssyncset.done $0x0  }
0xa0: {  	[sflag:s22] =	ssyncadd.s32 s4;
	_ =	sdelay $0x1  }
0xa1: {  	s23 =	simm.s32 $0x1B8B  }
0xa2: {  	_ =	swait.ge [sflag:s23], $0x1  }
0xa3: {  	[sflag:s23] =	ssyncset.done $0x0  }
0xa4: {  	s25 =	simm.s32 $0x1B8E;
	s24 =	sld [smem:$0x3FFE];
	[sflag:s23] =	ssyncadd.s32 $0xFFFFFFFF  }
0xa5: {  	s26 =	simm.s32 $execute0_lowered;
	[smem:$0x3FD2] =	sst s25  }
0xa6: {  	s5 =	sshll.u32 s26, $0x1;
	_ =	strace $0x80000046;
	[dreg:$0x1] =	wrdreg $0xFFFFFFFF  }
0xa7: {  	s28 =	simm.s32 $_size_execute0_lowered;
	s3 =	sadd.s32 s3, s5;
	[dreg:$0x0] =	wrdreg $0x0  }
0xa8: {  	s5 =	sshll.u32 s28, $0x1;
	[dreg:$0x2] =	wrdreg s3  }
0xa9: {  	[dreg:$0x3] =	wrdreg s5  }
0xaa: {  	[dreg:$0x4] =	wrdreg $0xC0  }
0xab: {  	_ =	task [dreg:s7], $0x5FFFF  }
0xac: {  	[dreg:$0x1] =	wrdreg $0xFFFFFFFF  }
0xad: {  	[dreg:$0x0] =	wrdreg $0x60  }
0xae: {  	[dreg:$0x2] =	wrdreg s2  }
0xaf: {  	[dreg:$0x3] =	wrdreg s24  }
0xb0: {  	[dreg:$0x4] =	wrdreg $0x9  }
0xb1: {  	_ =	task.clear_ibuf [dreg:s7], $0x5FFFF;
	_ =	strace $0x90000046  }
0xb2: {  	s29 =	simm.s32 $0x9;
	_ =	strace $0x80000048  }
0xb3: {  	_ =	swait.ge [sflag:s29], $0x1  }
0xb4: {  	[sflag:s29] =	ssyncadd.s32 $0xFFFFFFFF  }
0xb5: {  	_ =	strace $0x90000048  }
0xb6: {  	_ =	sfence  }
0xb7: {  	s30 =	sld [smem:$0x0];
	_ =	sdelay $0x2  }
0xb8: {  	s31 =	sshll.u32 s1, $0xD;
	s1 =	sshrl.u32 s1, $0x2  }
0xb9: {  	s3 =	sand.u32 $0x4000, s31;
	s1 =	sadd.s32 s1, s30  }
0xba: {  	s0 =	sor.u32 s3, s0;
	s1 =	sshll.u32 s1, $0x11  }
0xbb: {  	s0 =	sor.u32 s1, s0  }
0xbc: {  	s0 =	sadd.s32 $0x8F2B, s0  }
0xbd: {  	[sflag:s0] =	ssyncadd.remote.s32 $0x1  }
0xbe: {  	_ =	sfence.sel $0xFFFF  }
0xbf: {  	[dreg:$0x0] =	wrdreg $0xFFFFFFFF;
	(pc) =	sbr.abs _section_cstart, $3  }
0xc0: {  	[dreg:$0x1] =	wrdreg $0xFFFFFFFF  }
0xc1: {  	_ =	task.clear_ibuf [dreg:s7], $0x2FFFF;
	_ =	strace $0x9FFFFFFF  }
0xc2: {  	(tm) =	ssettm $0x7FFFFFFF  }
0xc3: {  	_ =	shalt  }
tec
execute0_lowered:
.L_overlay_start_1:
0x0: {  	(tag) =	ssettag $0x1  }
0x1: {  	s1 =	srdreg.scid  }
0x2: {  	s0 =	stileid.u32;
	s3 =	rddreg [dreg:$0x0]  }
0x3: {  	s5 =	rddreg [dreg:$0x1];
	s8 =	simm.s32 $0x80;
	s26 =	simm.s32 $0x880  }
0x4: {  	s9 =	simm.s32 $0x1080;
	s10 =	simm.s32 $0x1880;
	s11 =	simm.s32 $0x2080  }
0x5: {  	s12 =	simm.s32 $0x2880;
	s13 =	simm.s32 $0x3080;
	s14 =	simm.s32 $0x3880  }
0x6: {  	s15 =	simm.s32 $0x4080;
	s16 =	simm.s32 $0x4880;
	s17 =	simm.s32 $0x5080  }
0x7: {  	s18 =	simm.s32 $0x5880;
	s19 =	simm.s32 $0x6080;
	s20 =	simm.s32 $0x6880  }
0x8: {  	s21 =	simm.s32 $0x7080;
	s22 =	simm.s32 $0x7880;
	s23 =	simm.s32 $0x8080  }
0x9: {  	s24 =	simm.s32 $0x8880;
	s25 =	simm.s32 $0x9080;
	s28 =	simm.s32 $0xA080  }
0xa: {  	s29 =	simm.s32 $0xA880;
	s1 =	sand.u32 $0x1, s1;
	s2 =	sshll.u32 s0, $0x1  }
0xb: {  	s30 =	simm.s32 $0xB080;
	s31 =	simm.s32 $0xB880;
	s4 =	sor.u32 s1, s2  }
0xc: {  	s2 =	simm.s32 $0x0;
	s1 =	ssub.s32 $0x2, s1;
	s6 =	sshll.u32 s4, $0x4  }
0xd: {  	[smem:$0x7FF] =	sst s2;
	s4 =	smul.u32 $0x1800, s4;
	s7 =	sshrl.u32 s1, $0x1  }
0xe: {  	s6 =	sadd.s32 s6, s5;
	_ =	strace $0x80000047;
	s1 =	ssub.s32 s1, s7  }
0xf: {  	s7 =	simm.s32 $0x2;
	[dreg:$0x5] =	wrdreg s26;
	s6 =	sadd.s32 $0x2E00, s6  }
0x10: {  	v2 =	vlaneseq.u32;
	s26 =	simm.s32 $0x9880;
	s4 =	sadd.s32 s3, s4;
	[dreg:$0x3] =	wrdreg s6  }
0x11: {  	vm0 =	vmmov $0xffff;
	v1 =	vshrl.u32 v2, $0x3;
	s3 =	sadd.s32 $0x3000, s5;
	[dreg:$0x4] =	wrdreg s4;
	s4 =	sadd.s32 $0x3100, s5  }
0x12: {  	v0 =	vand.u32 $0x7, v2;
	v2 =	vor.u32 $0x8, v2;
	v1 =	vmul.u32 $0x8, v1;
	s5 =	sadd.s32 $0x3200, s5;
	s6 =	smax.u32 s1, $0x1;
	s1 =	simm.s32 $0x1  }
.LBB2_1:
0x13: {  	s0 =	rddreg [dreg:$0x3]  }
0x14: {  	[tilespmem:s2], [sflag:$0x2] =	stream.linear.gather [hbm4b:s0+s2], $0x80, $0x38;
	[tilespmem:$0xC080] =	vst v63  }
0x15: {  	_ =	swait.ge [sflag:s7], $0x80  }
0x16: {  	[sflag:s7] =	ssyncset.done $0x0  }
0x17: {  	s0 =	rddreg [dreg:$0x4];
	[sflag:s7] =	ssyncadd.s32 $0xFFFFFF80  }
0x18: {  	[tilespmem:s8], [sflag:$0x2] =	stream.linear.gather [hbm4b:s0+s2], $0xC000, $0x38;
	[tilespmem:$0xC080] =	vst v63  }
0x19: {  	_ =	swait.ge [sflag:s7], $0xC000  }
0x1a: {  	[sflag:s7] =	ssyncset.done $0x0  }
0x1b: {  	[sflag:s7] =	ssyncadd.s32 $0xFFFF4000  }
0x1c: {  	v3 =	vld [tilespmem:$0x0];
	_ =	sdelay $0x4  }
0x1d: {  	v4 =	vshrl.u32 v3, $0x3  }
0x1e: {  	v4 =	vmul.u32 $0x30, v4  }
0x1f: {  	v3 =	vand.u32 $0x7, v3  }
0x20: {  	v3 =	vor.u32 v3, v4  }
0x21: {  	v4 =	vperm.xlane v3, v0;
	_ =	sdelay $0x1  }
0x22: {  	v4 =	vadd.s32 v1, v4;
	_ =	sdelay $0x3  }
0x23: {  	v3 =	vperm.xlane v3, v2  }
0x24: {  	[hbm4b:s3+s2] =	stream.indirect_vreg.scatter [tilespmem:s8], [sflag:$0x1], $0x80, v4, vm0, $0xb8;
	[tilespmem:$0xC080] =	vst v63  }
0x25: {  	s0 =	rddreg [dreg:$0x5];
	v3 =	vadd.s32 v1, v3  }
0x26: {  	[hbm4b:s4+s2] =	stream.indirect_vreg.scatter [tilespmem:s0], [sflag:$0x1], $0x80, v4, vm0, $0xb8;
	[tilespmem:$0xC080] =	vst v63  }
0x27: {  	_ = 	snop  }
0x28: {  	[hbm4b:s5+s2] =	stream.indirect_vreg.scatter [tilespmem:s9], [sflag:$0x1], $0x80, v4, vm0, $0xb8;
	[tilespmem:$0xC080] =	vst v63  }
0x29: {  	_ = 	snop  }
0x2a: {  	[hbm4b:s3+s2] =	stream.indirect_vreg.scatter [tilespmem:s10], [sflag:$0x1], $0x80, v3, vm0, $0xb8;
	[tilespmem:$0xC080] =	vst v63  }
0x2b: {  	_ = 	snop  }
0x2c: {  	[hbm4b:s4+s2] =	stream.indirect_vreg.scatter [tilespmem:s11], [sflag:$0x1], $0x80, v3, vm0, $0xb8;
	[tilespmem:$0xC080] =	vst v63  }
0x2d: {  	_ = 	snop  }
0x2e: {  	[hbm4b:s5+s2] =	stream.indirect_vreg.scatter [tilespmem:s12], [sflag:$0x1], $0x80, v3, vm0, $0xb8;
	[tilespmem:$0xC080] =	vst v63  }
0x2f: {  	v3 =	vld [tilespmem:$0x10];
	_ =	sdelay $0x4  }
0x30: {  	v61 =	vshrl.u32 v3, $0x3  }
0x31: {  	v4 =	vmul.u32 $0x30, v61  }
0x32: {  	v3 =	vand.u32 $0x7, v3  }
0x33: {  	v3 =	vor.u32 v3, v4  }
0x34: {  	v4 =	vperm.xlane v3, v0;
	_ =	sdelay $0x1  }
0x35: {  	v4 =	vadd.s32 v1, v4;
	_ =	sdelay $0x3  }
0x36: {  	v3 =	vperm.xlane v3, v2  }
0x37: {  	[hbm4b:s3+s2] =	stream.indirect_vreg.scatter [tilespmem:s13], [sflag:$0x1], $0x80, v4, vm0, $0xb8;
	[tilespmem:$0xC080] =	vst v63  }
0x38: {  	v3 =	vadd.s32 v1, v3  }
0x39: {  	[hbm4b:s4+s2] =	stream.indirect_vreg.scatter [tilespmem:s14], [sflag:$0x1], $0x80, v4, vm0, $0xb8;
	[tilespmem:$0xC080] =	vst v63  }
0x3a: {  	_ = 	snop  }
0x3b: {  	[hbm4b:s5+s2] =	stream.indirect_vreg.scatter [tilespmem:s15], [sflag:$0x1], $0x80, v4, vm0, $0xb8;
	[tilespmem:$0xC080] =	vst v63  }
0x3c: {  	_ = 	snop  }
0x3d: {  	[hbm4b:s3+s2] =	stream.indirect_vreg.scatter [tilespmem:s16], [sflag:$0x1], $0x80, v3, vm0, $0xb8;
	[tilespmem:$0xC080] =	vst v63  }
0x3e: {  	_ = 	snop  }
0x3f: {  	[hbm4b:s4+s2] =	stream.indirect_vreg.scatter [tilespmem:s17], [sflag:$0x1], $0x80, v3, vm0, $0xb8;
	[tilespmem:$0xC080] =	vst v63  }
0x40: {  	_ = 	snop  }
0x41: {  	[hbm4b:s5+s2] =	stream.indirect_vreg.scatter [tilespmem:s18], [sflag:$0x1], $0x80, v3, vm0, $0xb8;
	[tilespmem:$0xC080] =	vst v63  }
0x42: {  	v3 =	vld [tilespmem:$0x20];
	_ =	sdelay $0x4  }
0x43: {  	v62 =	vshrl.u32 v3, $0x3  }
0x44: {  	v4 =	vmul.u32 $0x30, v62  }
0x45: {  	v3 =	vand.u32 $0x7, v3  }
0x46: {  	v3 =	vor.u32 v3, v4  }
0x47: {  	v4 =	vperm.xlane v3, v0;
	_ =	sdelay $0x1  }
0x48: {  	v4 =	vadd.s32 v1, v4;
	_ =	sdelay $0x3  }
0x49: {  	v3 =	vperm.xlane v3, v2  }
0x4a: {  	[hbm4b:s3+s2] =	stream.indirect_vreg.scatter [tilespmem:s19], [sflag:$0x1], $0x80, v4, vm0, $0xb8;
	[tilespmem:$0xC080] =	vst v63  }
0x4b: {  	v3 =	vadd.s32 v1, v3  }
0x4c: {  	[hbm4b:s4+s2] =	stream.indirect_vreg.scatter [tilespmem:s20], [sflag:$0x1], $0x80, v4, vm0, $0xb8;
	[tilespmem:$0xC080] =	vst v63  }
0x4d: {  	_ = 	snop  }
0x4e: {  	[hbm4b:s5+s2] =	stream.indirect_vreg.scatter [tilespmem:s21], [sflag:$0x1], $0x80, v4, vm0, $0xb8;
	[tilespmem:$0xC080] =	vst v63  }
0x4f: {  	_ = 	snop  }
0x50: {  	[hbm4b:s3+s2] =	stream.indirect_vreg.scatter [tilespmem:s22], [sflag:$0x1], $0x80, v3, vm0, $0xb8;
	[tilespmem:$0xC080] =	vst v63  }
0x51: {  	_ = 	snop  }
0x52: {  	[hbm4b:s4+s2] =	stream.indirect_vreg.scatter [tilespmem:s23], [sflag:$0x1], $0x80, v3, vm0, $0xb8;
	[tilespmem:$0xC080] =	vst v63  }
0x53: {  	_ = 	snop  }
0x54: {  	[hbm4b:s5+s2] =	stream.indirect_vreg.scatter [tilespmem:s24], [sflag:$0x1], $0x80, v3, vm0, $0xb8;
	[tilespmem:$0xC080] =	vst v63  }
0x55: {  	v3 =	vld [tilespmem:$0x30];
	_ =	sdelay $0x4  }
0x56: {  	v63 =	vshrl.u32 v3, $0x3  }
0x57: {  	v4 =	vmul.u32 $0x30, v63  }
0x58: {  	v3 =	vand.u32 $0x7, v3  }
0x59: {  	v3 =	vor.u32 v3, v4  }
0x5a: {  	v4 =	vperm.xlane v3, v0;
	_ =	sdelay $0x1  }
0x5b: {  	v4 =	vadd.s32 v1, v4;
	_ =	sdelay $0x3  }
0x5c: {  	v3 =	vperm.xlane v3, v2  }
0x5d: {  	[hbm4b:s3+s2] =	stream.indirect_vreg.scatter [tilespmem:s25], [sflag:$0x1], $0x80, v4, vm0, $0xb8;
	[tilespmem:$0xC080] =	vst v63  }
0x5e: {  	v3 =	vadd.s32 v1, v3  }
0x5f: {  	[hbm4b:s4+s2] =	stream.indirect_vreg.scatter [tilespmem:s26], [sflag:$0x1], $0x80, v4, vm0, $0xb8;
	[tilespmem:$0xC080] =	vst v63  }
0x60: {  	_ = 	snop  }
0x61: {  	[hbm4b:s5+s2] =	stream.indirect_vreg.scatter [tilespmem:s28], [sflag:$0x1], $0x80, v4, vm0, $0xb8;
	[tilespmem:$0xC080] =	vst v63  }
0x62: {  	_ = 	snop  }
0x63: {  	[hbm4b:s3+s2] =	stream.indirect_vreg.scatter [tilespmem:s29], [sflag:$0x1], $0x80, v3, vm0, $0xb8;
	[tilespmem:$0xC080] =	vst v63  }
0x64: {  	p0 =	sne.s32 s6, $0x1  }
0x65: {  	[hbm4b:s4+s2] =	stream.indirect_vreg.scatter [tilespmem:s30], [sflag:$0x1], $0x80, v3, vm0, $0xb8;
	[tilespmem:$0xC080] =	vst v63  }
.Ltmp0:
0x66: {  	_ = 	snop;
	(pc) =	sbr.rel @p0 .LBB2_1-.Ltmp0, $4  }
0x67: {  	[hbm4b:s5+s2] =	stream.indirect_vreg.scatter [tilespmem:s31], [sflag:$0x1], $0x80, v3, vm0, $0xb8;
	[tilespmem:$0xC080] =	vst v63  }
0x68: {  	_ =	swait.ge [sflag:s1], $0xC000  }
0x69: {  	[sflag:s1] =	ssyncset.done $0x0  }
0x6a: {  	s6 =	sadd.s32 $0xFFFFFFFF, s6;
	[sflag:s1] =	ssyncadd.s32 $0xFFFF4000  }
0x6b: {  	_ =	sfence.sel $0x180000  }
0x6c: {  	[bflag:$0x0] =	sbarrier.arrive $0xFFFF  }
0x6d: {  	_ =	strace $0x90000047  }
0x6e: {  	s0 =	stileid.u32;
	[bflag:$0x2] =	sbarrier.arrive $0xFFFF  }
0x6f: {  	p0 =	sne.s32 s0, $0x0;
	s0 =	rddreg [dreg:$0x2]  }
0x70: {  	s0 =	sadd.s32 @!p0 $0x100000, s0  }
0x71: {  	[sflag:s0] =	ssyncadd.tile.s32 @!p0 $0x1;
	_ =	shalt  }
.Lfunc_end2:
_tile_overlayer_lowered:
.L_overlay_start_2:
0x72: {  	(tag) =	ssettag $0x2  }
0x73: {  	s0 =	rddreg [dreg:$0x0];
	s2 =	stileid.u32  }
0x74: {  	s1 =	rddreg [dreg:$0x1];
	p0 =	sne.s32 s2, $0x0  }
0x75: {  	s3 =	rddreg [dreg:$0x2];
	[bflag:$0x3] =	sbarrier.arrive $0xFFFF;
	s2 =	simm.s32 @!p0 $0x1C02  }
0x76: {  	[timem:s3], [sflag:s2] =	dma.local @!p0 [hbm:s0], s1  }
0x77: {  	s0 =	simm.s32 @!p0 $0x2  }
0x78: {  	_ =	swait.ge @!p0 [sflag:s0], s1  }
0x79: {  	s1 =	ssub.s32 @!p0 $0x0, s1;
	[sflag:s0] =	ssyncset.done @!p0 $0x0  }
0x7a: {  	[sflag:s0] =	ssyncadd.s32 @!p0 s1  }
0x7b: {  	[bflag:$0x3] =	sbarrier.arrive $0xFFFF  }
0x7c: {  	_ =	shalt  }

// kernel: kernel.13.cloned.1.call-start
scs
__scs_entry_jumppad:
0x0: {  	(pc) =	sbr.rel $0x88, $3  }
0x1: {  	(tag) =	ssettag $0x0;
	lr =	simm.s32 $0x1  }
0x2: {  	[smem:$0x3F99] =	sst lr;
	_ =	strace $0xD0000000  }
0x3: {  	_ = 	snop  }
0x4: {  	_ = 	snop  }
0x5: {  	_ = 	snop  }
0x6: {  	_ = 	snop  }
0x7: {  	_ = 	snop  }
__scs_overlays_trampoline_lowered:
0x8: {  	[smem:$0x3FA8] =	sst s0  }
0x9: {  	[smem:$0x3FA9] =	sst s1  }
0xa: {  	[smem:$0x3FAA] =	sst s2  }
0xb: {  	[smem:$0x3FAB] =	sst s3  }
0xc: {  	[smem:$0x3FAC] =	sst s4  }
0xd: {  	[smem:$0x3FAD] =	sst s5  }
0xe: {  	[smem:$0x3FAE] =	sst s6  }
0xf: {  	[smem:$0x3FAF] =	sst s7  }
0x10: {  	[smem:$0x3FB0] =	sst s8  }
0x11: {  	[smem:$0x3FB1] =	sst s9;
	s0 =	simm.s32 @!p0 $0x0  }
0x12: {  	s1 =	sld [smem:$0x3F97];
	s0 =	simm.s32 @p0 $0x1  }
0x13: {  	[smem:$0x3FB2] =	sst s0;
	s0 =	simm.s32 @!p1 $0x0  }
0x14: {  	s2 =	sld [smem:$0x3F96];
	s0 =	simm.s32 @p1 $0x1  }
0x15: {  	[smem:$0x3FB3] =	sst s0;
	s0 =	simm.s32 @!p2 $0x0  }
0x16: {  	s3 =	sld [smem:$0x3FDB];
	s0 =	simm.s32 @p2 $0x1  }
0x17: {  	s4 =	simm.s32 $0x1BF5;
	[smem:$0x3FB5] =	sst s0  }
0x18: {  	s0 =	sld [smem:$0x3F98];
	_ =	swait.ge [sflag:s4], $0x0  }
0x19: {  	s7 =	sld [smem:$0x3F99]  }
0x1a: {  	s8 =	sadd.s32 $0xFFFFE003, lr  }
0x1b: {  	s9 =	sadd.s32 $0xFFFFFEF7, lr;
	s5 =	simm.s32 $0xFFFFFFFF;
	p2 =	slt.u32 s8, $0xFFFFF086  }
0x1c: {  	p1 =	slt.u32 s9, $0xF7A;
	s5 =	simm.s32 @!p2 $0x0  }
0x1d: {  	s5 =	simm.s32 @p1 $0x1;
	p0 =	seq.s32 s7, s2  }
0x1e: {  	s7 =	smul.u32 @!p0 $0xF7A, s2;
	p2 =	seq.s32 @!p0 s5, $0x0  }
0x1f: {  	s9 =	smul.u32 $0xF7A, s1;
	s8 =	simm.s32 @!p0 $0x1BF5;
	p2 =	por !p2, p0  }
0x20: {  	[sflag:s8] =	ssyncset.s32 @!p0 $0xFFFFF086;
	s6 =	sadd.s32 @!p0 s3, s7;
	s7 =	simm.s32 @!p0 $0x108  }
0x21: {  	s3 =	sadd.s32 s3, s9;
	s6 =	sadd.s32 @!p0 $0x88, s6;
	s7 =	simm.s32 @p2 $0x1082  }
0x22: {  	[simem:s7], [sflag:s8] =	dma.local @!p0 [hbm:s6], $0xF7A  }
0x23: {  	s9 =	sor.u32 $0xD0000000, s2;
	s6 =	simm.s32 $0x108;
	_ =	swait.ge @!p0 [sflag:s8], $0x0  }
0x24: {  	s3 =	sadd.s32 $0x88, s3;
	s6 =	simm.s32 @!p1 $0x1082;
	[sflag:s4] =	ssyncset.s32 $0xFFFFF086  }
0x25: {  	[simem:s6], [sflag:s4] =	dma.local [hbm:s3], $0xF7A  }
0x26: {  	[smem:$0x3F99] =	sst s1;
	(tag) =	ssettag s2;
	_ =	strace s9  }
0x27: {  	s1 =	sld [smem:$0x3FA9]  }
0x28: {  	s2 =	sld [smem:$0x3FAA]  }
0x29: {  	s4 =	sld [smem:$0x3FAC]  }
0x2a: {  	p0 =	seq.s32 s5, $0x0;
	s5 =	sld [smem:$0x3FAD]  }
0x2b: {  	s6 =	sld [smem:$0x3FAE]  }
0x2c: {  	s7 =	sld [smem:$0x3FAF]  }
0x2d: {  	s3 =	simm.s32 $0x108;
	s8 =	sld [smem:$0x3FB0]  }
0x2e: {  	s3 =	simm.s32 @!p0 $0x1082;
	s9 =	sld [smem:$0x3FB1]  }
0x2f: {  	lr =	sadd.s32 s0, s3;
	s0 =	sld [smem:$0x3FA8]  }
0x30: {  	s3 =	sld [smem:$0x3FAB]  }
0x31: {  	[smem:$0x3FB4] =	sst s10  }
0x32: {  	s10 =	sld [smem:$0x3FB2];
	_ =	sdelay $0x3  }
0x33: {  	p0 =	seq.s32 s10, $0x1;
	s10 =	sld [smem:$0x3FB4];
	_ =	sdelay $0x3  }
0x34: {  	[smem:$0x3FB4] =	sst s10  }
0x35: {  	s10 =	sld [smem:$0x3FB3];
	_ =	sdelay $0x3  }
0x36: {  	p1 =	seq.s32 s10, $0x1;
	s10 =	sld [smem:$0x3FB4];
	_ =	sdelay $0x3  }
0x37: {  	[smem:$0x3FB4] =	sst s10  }
0x38: {  	s10 =	sld [smem:$0x3FB5]  }
0x39: {  	_ = 	snop;
	(pc) =	sbr.ind lr, $3  }
0x3a: {  	_ = 	snop  }
0x3b: {  	_ = 	snop  }
0x3c: {  	p2 =	seq.s32 s10, $0x1;
	s10 =	sld [smem:$0x3FB4]  }
0x3d: {  	_ =	shalt  }
0x3e: {  	_ =	shalt  }
0x3f: {  	_ =	shalt  }
0x40: {  	_ =	shalt  }
0x41: {  	_ =	shalt  }
0x42: {  	_ =	shalt  }
0x43: {  	_ =	shalt  }
0x44: {  	_ =	shalt  }
0x45: {  	_ =	shalt  }
0x46: {  	_ =	shalt  }
0x47: {  	_ =	shalt  }
0x48: {  	_ =	shalt  }
0x49: {  	_ =	shalt  }
0x4a: {  	_ =	shalt  }
0x4b: {  	_ =	shalt  }
0x4c: {  	_ =	shalt  }
0x4d: {  	_ =	shalt  }
0x4e: {  	_ =	shalt  }
0x4f: {  	_ =	shalt  }
0x50: {  	_ =	shalt  }
0x51: {  	_ =	shalt  }
0x52: {  	_ =	shalt  }
0x53: {  	_ =	shalt  }
0x54: {  	_ =	shalt  }
0x55: {  	_ =	shalt  }
0x56: {  	_ =	shalt  }
0x57: {  	_ =	shalt  }
0x58: {  	_ =	shalt  }
0x59: {  	_ =	shalt  }
0x5a: {  	_ =	shalt  }
0x5b: {  	_ =	shalt  }
0x5c: {  	_ =	shalt  }
0x5d: {  	_ =	shalt  }
0x5e: {  	_ =	shalt  }
0x5f: {  	_ =	shalt  }
0x60: {  	_ =	shalt  }
0x61: {  	_ =	shalt  }
0x62: {  	_ =	shalt  }
0x63: {  	_ =	shalt  }
0x64: {  	_ =	shalt  }
0x65: {  	_ =	shalt  }
0x66: {  	_ =	shalt  }
0x67: {  	_ =	shalt  }
0x68: {  	_ =	shalt  }
0x69: {  	_ =	shalt  }
0x6a: {  	_ =	shalt  }
0x6b: {  	_ =	shalt  }
0x6c: {  	_ =	shalt  }
0x6d: {  	_ =	shalt  }
0x6e: {  	_ =	shalt  }
0x6f: {  	_ =	shalt  }
0x70: {  	_ =	shalt  }
0x71: {  	_ =	shalt  }
0x72: {  	_ =	shalt  }
0x73: {  	_ =	shalt  }
0x74: {  	_ =	shalt  }
0x75: {  	_ =	shalt  }
0x76: {  	_ =	shalt  }
0x77: {  	_ =	shalt  }
0x78: {  	_ =	shalt  }
0x79: {  	_ =	shalt  }
0x7a: {  	_ =	shalt  }
0x7b: {  	_ =	shalt  }
0x7c: {  	_ =	shalt  }
0x7d: {  	_ =	shalt  }
0x7e: {  	_ =	shalt  }
0x7f: {  	_ =	shalt  }
0x80: {  	_ =	shalt  }
0x81: {  	_ =	shalt  }
0x82: {  	_ =	shalt  }
0x83: {  	_ =	shalt  }
0x84: {  	_ =	shalt  }
0x85: {  	_ =	shalt  }
0x86: {  	_ =	shalt  }
0x87: {  	_ =	shalt  }
.Lfunc_end0:
.L_simem_size_0:
called_computation.1_lowered:
.L_overlay_start_0:
0x88: {  	s2 =	sld [smem:$0x3FD9]  }
0x89: {  	s3 =	sld [smem:$0x3FFE];
	_ =	sdelay $0x1  }
0x8a: {  	s1 =	srdreg.scid  }
0x8b: {  	s0 =	sand.u32 $0x1, s1  }
0x8c: {  	s17 =	sshll.u32 s0, $0xA;
	s2 =	sadd.s32 s3, s2  }
0x8d: {  	s2 =	sadd.s32 s2, s17  }
0x8e: {  	[smem:$0x3FC0] =	sst s2  }
0x8f: {  	_ = 	snop  }
0x90: {  	s2 =	sld [smem:$0x3FD0];
	(tm) =	ssettm $0x1  }
0x91: {  	s18 =	sld [smem:$0x3FFB];
	_ =	sdelay $0x3  }
0x92: {  	_ =	strace s18  }
0x93: {  	s3 =	sld [smem:$0x3FFC];
	_ =	sdelay $0x3  }
0x94: {  	_ =	strace s3  }
0x95: {  	s3 =	sld [smem:$0x3FFD];
	_ =	sdelay $0x3  }
0x96: {  	_ =	strace s3  }
0x97: {  	_ =	strace $0x8FFFFFFF  }
0x98: {  	s19 =	sld [smem:$0x3FDB];
	_ =	sdelay $0x1  }
0x99: {  	s4 =	simm.s32 $_scs_section_size  }
0x9a: {  	s5 =	simm.s32 $_size__tile_overlayer_lowered;
	s6 =	simm.s32 $_tile_overlayer_lowered  }
0x9b: {  	s22 =	simm.s32 $0x1BFF;
	s21 =	sshll.u32 s6, $0x1;
	s3 =	sadd.s32 s4, s19  }
0x9c: {  	s7 =	simm.s32 $0x0;
	s20 =	sshll.u32 s5, $0x1;
	s5 =	sadd.s32 s21, s3  }
0x9d: {  	[timem:s7], [sflag:s22] =	dma.local [hbm:s5], s20  }
0x9e: {  	_ =	swait.ge [sflag:s22], s20  }
0x9f: {  	s4 =	ssub.s32 $0x0, s20;
	[sflag:s22] =	ssyncset.done $0x0  }
0xa0: {  	[sflag:s22] =	ssyncadd.s32 s4;
	_ =	sdelay $0x1  }
0xa1: {  	s23 =	simm.s32 $0x1B8B  }
0xa2: {  	_ =	swait.ge [sflag:s23], $0x1  }
0xa3: {  	[sflag:s23] =	ssyncset.done $0x0  }
0xa4: {  	s25 =	simm.s32 $0x1B8E;
	s24 =	sld [smem:$0x3FFE];
	[sflag:s23] =	ssyncadd.s32 $0xFFFFFFFF  }
0xa5: {  	s26 =	simm.s32 $execute0_lowered;
	[smem:$0x3FD2] =	sst s25  }
0xa6: {  	s5 =	sshll.u32 s26, $0x1;
	_ =	strace $0x80000049;
	[dreg:$0x1] =	wrdreg $0xFFFFFFFF  }
0xa7: {  	s28 =	simm.s32 $_size_execute0_lowered;
	s3 =	sadd.s32 s3, s5;
	[dreg:$0x0] =	wrdreg $0x0  }
0xa8: {  	s5 =	sshll.u32 s28, $0x1;
	[dreg:$0x2] =	wrdreg s3  }
0xa9: {  	[dreg:$0x3] =	wrdreg s5  }
0xaa: {  	[dreg:$0x4] =	wrdreg $0xC0  }
0xab: {  	_ =	task [dreg:s7], $0x5FFFF  }
0xac: {  	[dreg:$0x1] =	wrdreg $0xFFFFFFFF  }
0xad: {  	[dreg:$0x0] =	wrdreg $0x60  }
0xae: {  	[dreg:$0x2] =	wrdreg s24  }
0xaf: {  	[dreg:$0x3] =	wrdreg s2  }
0xb0: {  	[dreg:$0x4] =	wrdreg $0x9  }
0xb1: {  	_ =	task.clear_ibuf [dreg:s7], $0x5FFFF;
	_ =	strace $0x90000049  }
0xb2: {  	s29 =	simm.s32 $0x9;
	_ =	strace $0x8000004B  }
0xb3: {  	_ =	swait.ge [sflag:s29], $0x1  }
0xb4: {  	[sflag:s29] =	ssyncadd.s32 $0xFFFFFFFF  }
0xb5: {  	_ =	strace $0x9000004B  }
0xb6: {  	_ =	sfence  }
0xb7: {  	s30 =	sld [smem:$0x0];
	_ =	sdelay $0x2  }
0xb8: {  	s31 =	sshll.u32 s1, $0xD;
	s1 =	sshrl.u32 s1, $0x2  }
0xb9: {  	s3 =	sand.u32 $0x4000, s31;
	s1 =	sadd.s32 s1, s30  }
0xba: {  	s0 =	sor.u32 s3, s0;
	s1 =	sshll.u32 s1, $0x11  }
0xbb: {  	s0 =	sor.u32 s1, s0  }
0xbc: {  	s0 =	sadd.s32 $0x8F2B, s0  }
0xbd: {  	[sflag:s0] =	ssyncadd.remote.s32 $0x1  }
0xbe: {  	_ =	sfence.sel $0xFFFF  }
0xbf: {  	[dreg:$0x0] =	wrdreg $0xFFFFFFFF;
	(pc) =	sbr.abs _section_cstart, $3  }
0xc0: {  	[dreg:$0x1] =	wrdreg $0xFFFFFFFF  }
0xc1: {  	_ =	task.clear_ibuf [dreg:s7], $0x2FFFF;
	_ =	strace $0x9FFFFFFF  }
0xc2: {  	(tm) =	ssettm $0x7FFFFFFF  }
0xc3: {  	_ =	shalt  }
tec
execute0_lowered:
.L_overlay_start_1:
0x0: {  	(tag) =	ssettag $0x1  }
0x1: {  	s0 =	rddreg [dreg:$0x0]  }
0x2: {  	s5 =	rddreg [dreg:$0x1];
	s3 =	srdreg.scid  }
0x3: {  	s2 =	simm.s32 $0x0;
	s1 =	stileid.u32;
	s26 =	simm.s32 $0x880  }
0x4: {  	s10 =	simm.s32 $0x1880;
	s11 =	simm.s32 $0x2080;
	s12 =	simm.s32 $0x2880  }
0x5: {  	s13 =	simm.s32 $0x3080;
	s14 =	simm.s32 $0x3880;
	s15 =	simm.s32 $0x4080  }
0x6: {  	s16 =	simm.s32 $0x4880;
	s17 =	simm.s32 $0x5080;
	s18 =	simm.s32 $0x5880  }
0x7: {  	s19 =	simm.s32 $0x6080;
	s20 =	simm.s32 $0x6880;
	s21 =	simm.s32 $0x7080  }
0x8: {  	s22 =	simm.s32 $0x7880;
	s28 =	simm.s32 $0xA080;
	s29 =	simm.s32 $0xA880  }
0x9: {  	s30 =	simm.s32 $0xB080;
	s31 =	simm.s32 $0xB880;
	s3 =	sand.u32 $0x1, s3  }
0xa: {  	[smem:$0x7FF] =	sst s2;
	s4 =	sshll.u32 s1, $0x4;
	s6 =	sshll.u32 s3, $0x3  }
0xb: {  	_ =	strace $0x8000004A;
	s23 =	ssub.s32 $0x2, s3;
	s3 =	sadd.s32 $0x2E00, s0  }
0xc: {  	[dreg:$0x5] =	wrdreg s26;
	s26 =	simm.s32 $0x9880;
	s4 =	sor.u32 s6, s4  }
0xd: {  	s8 =	sshrl.u32 s23, $0x1;
	s7 =	sadd.s32 s4, s0;
	s9 =	smul.u32 $0x300, s4  }
0xe: {  	s6 =	ssub.s32 s23, s8;
	s4 =	sadd.s32 $0x2F00, s0;
	s8 =	simm.s32 $0x80  }
0xf: {  	s23 =	simm.s32 $0x8080;
	s24 =	sadd.s32 $0x2C00, s7;
	s6 =	smax.u32 s6, $0x1  }
0x10: {  	v2 =	vlaneseq.u32;
	s7 =	simm.s32 $0x2;
	[dreg:$0x3] =	wrdreg s24;
	s25 =	sadd.s32 s5, s9  }
0x11: {  	vm0 =	vmmov $0xffff;
	v1 =	vshrl.u32 v2, $0x3;
	s5 =	sadd.s32 $0x3000, s0;
	s9 =	simm.s32 $0x1080;
	s24 =	simm.s32 $0x8880  }
0x12: {  	v0 =	vand.u32 $0x7, v2;
	v2 =	vor.u32 $0x8, v2;
	v1 =	vmul.u32 $0x8, v1;
	s0 =	simm.s32 $0x1;
	[dreg:$0x4] =	wrdreg s25;
	s25 =	simm.s32 $0x9080  }
.LBB2_1:
0x13: {  	s1 =	rddreg [dreg:$0x3]  }
0x14: {  	[tilespmem:s2], [sflag:$0x2] =	stream.linear.gather [hbm4b:s1+s2], $0x40, $0x38;
	[tilespmem:$0xC080] =	vst v63  }
0x15: {  	_ =	swait.ge [sflag:s7], $0x40  }
0x16: {  	[sflag:s7] =	ssyncset.done $0x0  }
0x17: {  	[sflag:s7] =	ssyncadd.s32 $0xFFFFFFC0  }
0x18: {  	v3 =	vld [tilespmem:$0x0];
	_ =	sdelay $0x4  }
0x19: {  	v4 =	vshrl.u32 v3, $0x3  }
0x1a: {  	v4 =	vmul.u32 $0x30, v4  }
0x1b: {  	v3 =	vand.u32 $0x7, v3  }
0x1c: {  	v3 =	vor.u32 v3, v4  }
0x1d: {  	v4 =	vperm.xlane v3, v0;
	_ =	sdelay $0x1  }
0x1e: {  	v4 =	vadd.s32 v1, v4;
	_ =	sdelay $0x3  }
0x1f: {  	v3 =	vperm.xlane v3, v2  }
0x20: {  	[tilespmem:s8], [sflag:$0x1] =	stream.indirect_vreg.gather [hbm4b:s3+s2], $0x80, v4, vm0, $0xb8;
	[tilespmem:$0xC080] =	vst v63  }
0x21: {  	s1 =	rddreg [dreg:$0x5];
	v3 =	vadd.s32 v1, v3  }
0x22: {  	[tilespmem:s1], [sflag:$0x1] =	stream.indirect_vreg.gather [hbm4b:s4+s2], $0x80, v4, vm0, $0xb8;
	[tilespmem:$0xC080] =	vst v63  }
0x23: {  	_ = 	snop  }
0x24: {  	[tilespmem:s9], [sflag:$0x1] =	stream.indirect_vreg.gather [hbm4b:s5+s2], $0x80, v4, vm0, $0xb8;
	[tilespmem:$0xC080] =	vst v63  }
0x25: {  	_ = 	snop  }
0x26: {  	[tilespmem:s10], [sflag:$0x1] =	stream.indirect_vreg.gather [hbm4b:s3+s2], $0x80, v3, vm0, $0xb8;
	[tilespmem:$0xC080] =	vst v63  }
0x27: {  	_ = 	snop  }
0x28: {  	[tilespmem:s11], [sflag:$0x1] =	stream.indirect_vreg.gather [hbm4b:s4+s2], $0x80, v3, vm0, $0xb8;
	[tilespmem:$0xC080] =	vst v63  }
0x29: {  	_ = 	snop  }
0x2a: {  	[tilespmem:s12], [sflag:$0x1] =	stream.indirect_vreg.gather [hbm4b:s5+s2], $0x80, v3, vm0, $0xb8;
	[tilespmem:$0xC080] =	vst v63  }
0x2b: {  	v3 =	vld [tilespmem:$0x10];
	_ =	sdelay $0x4  }
0x2c: {  	v61 =	vshrl.u32 v3, $0x3  }
0x2d: {  	v4 =	vmul.u32 $0x30, v61  }
0x2e: {  	v3 =	vand.u32 $0x7, v3  }
0x2f: {  	v3 =	vor.u32 v3, v4  }
0x30: {  	v4 =	vperm.xlane v3, v0;
	_ =	sdelay $0x1  }
0x31: {  	v4 =	vadd.s32 v1, v4;
	_ =	sdelay $0x3  }
0x32: {  	v3 =	vperm.xlane v3, v2  }
0x33: {  	[tilespmem:s13], [sflag:$0x1] =	stream.indirect_vreg.gather [hbm4b:s3+s2], $0x80, v4, vm0, $0xb8;
	[tilespmem:$0xC080] =	vst v63  }
0x34: {  	v3 =	vadd.s32 v1, v3  }
0x35: {  	[tilespmem:s14], [sflag:$0x1] =	stream.indirect_vreg.gather [hbm4b:s4+s2], $0x80, v4, vm0, $0xb8;
	[tilespmem:$0xC080] =	vst v63  }
0x36: {  	_ = 	snop  }
0x37: {  	[tilespmem:s15], [sflag:$0x1] =	stream.indirect_vreg.gather [hbm4b:s5+s2], $0x80, v4, vm0, $0xb8;
	[tilespmem:$0xC080] =	vst v63  }
0x38: {  	_ = 	snop  }
0x39: {  	[tilespmem:s16], [sflag:$0x1] =	stream.indirect_vreg.gather [hbm4b:s3+s2], $0x80, v3, vm0, $0xb8;
	[tilespmem:$0xC080] =	vst v63  }
0x3a: {  	_ = 	snop  }
0x3b: {  	[tilespmem:s17], [sflag:$0x1] =	stream.indirect_vreg.gather [hbm4b:s4+s2], $0x80, v3, vm0, $0xb8;
	[tilespmem:$0xC080] =	vst v63  }
0x3c: {  	_ = 	snop  }
0x3d: {  	[tilespmem:s18], [sflag:$0x1] =	stream.indirect_vreg.gather [hbm4b:s5+s2], $0x80, v3, vm0, $0xb8;
	[tilespmem:$0xC080] =	vst v63  }
0x3e: {  	v3 =	vld [tilespmem:$0x20];
	_ =	sdelay $0x4  }
0x3f: {  	v62 =	vshrl.u32 v3, $0x3  }
0x40: {  	v4 =	vmul.u32 $0x30, v62  }
0x41: {  	v3 =	vand.u32 $0x7, v3  }
0x42: {  	v3 =	vor.u32 v3, v4  }
0x43: {  	v4 =	vperm.xlane v3, v0;
	_ =	sdelay $0x1  }
0x44: {  	v4 =	vadd.s32 v1, v4;
	_ =	sdelay $0x3  }
0x45: {  	v3 =	vperm.xlane v3, v2  }
0x46: {  	[tilespmem:s19], [sflag:$0x1] =	stream.indirect_vreg.gather [hbm4b:s3+s2], $0x80, v4, vm0, $0xb8;
	[tilespmem:$0xC080] =	vst v63  }
0x47: {  	v3 =	vadd.s32 v1, v3  }
0x48: {  	[tilespmem:s20], [sflag:$0x1] =	stream.indirect_vreg.gather [hbm4b:s4+s2], $0x80, v4, vm0, $0xb8;
	[tilespmem:$0xC080] =	vst v63  }
0x49: {  	_ = 	snop  }
0x4a: {  	[tilespmem:s21], [sflag:$0x1] =	stream.indirect_vreg.gather [hbm4b:s5+s2], $0x80, v4, vm0, $0xb8;
	[tilespmem:$0xC080] =	vst v63  }
0x4b: {  	_ = 	snop  }
0x4c: {  	[tilespmem:s22], [sflag:$0x1] =	stream.indirect_vreg.gather [hbm4b:s3+s2], $0x80, v3, vm0, $0xb8;
	[tilespmem:$0xC080] =	vst v63  }
0x4d: {  	_ = 	snop  }
0x4e: {  	[tilespmem:s23], [sflag:$0x1] =	stream.indirect_vreg.gather [hbm4b:s4+s2], $0x80, v3, vm0, $0xb8;
	[tilespmem:$0xC080] =	vst v63  }
0x4f: {  	_ = 	snop  }
0x50: {  	[tilespmem:s24], [sflag:$0x1] =	stream.indirect_vreg.gather [hbm4b:s5+s2], $0x80, v3, vm0, $0xb8;
	[tilespmem:$0xC080] =	vst v63  }
0x51: {  	v3 =	vld [tilespmem:$0x30];
	_ =	sdelay $0x4  }
0x52: {  	v63 =	vshrl.u32 v3, $0x3  }
0x53: {  	v4 =	vmul.u32 $0x30, v63  }
0x54: {  	v3 =	vand.u32 $0x7, v3  }
0x55: {  	v3 =	vor.u32 v3, v4  }
0x56: {  	v4 =	vperm.xlane v3, v0;
	_ =	sdelay $0x1  }
0x57: {  	v4 =	vadd.s32 v1, v4;
	_ =	sdelay $0x3  }
0x58: {  	v3 =	vperm.xlane v3, v2  }
0x59: {  	[tilespmem:s25], [sflag:$0x1] =	stream.indirect_vreg.gather [hbm4b:s3+s2], $0x80, v4, vm0, $0xb8;
	[tilespmem:$0xC080] =	vst v63  }
0x5a: {  	v3 =	vadd.s32 v1, v3  }
0x5b: {  	[tilespmem:s26], [sflag:$0x1] =	stream.indirect_vreg.gather [hbm4b:s4+s2], $0x80, v4, vm0, $0xb8;
	[tilespmem:$0xC080] =	vst v63  }
0x5c: {  	_ = 	snop  }
0x5d: {  	[tilespmem:s28], [sflag:$0x1] =	stream.indirect_vreg.gather [hbm4b:s5+s2], $0x80, v4, vm0, $0xb8;
	[tilespmem:$0xC080] =	vst v63  }
0x5e: {  	_ = 	snop  }
0x5f: {  	[tilespmem:s29], [sflag:$0x1] =	stream.indirect_vreg.gather [hbm4b:s3+s2], $0x80, v3, vm0, $0xb8;
	[tilespmem:$0xC080] =	vst v63  }
0x60: {  	_ = 	snop  }
0x61: {  	[tilespmem:s30], [sflag:$0x1] =	stream.indirect_vreg.gather [hbm4b:s4+s2], $0x80, v3, vm0, $0xb8;
	[tilespmem:$0xC080] =	vst v63  }
0x62: {  	_ = 	snop  }
0x63: {  	[tilespmem:s31], [sflag:$0x1] =	stream.indirect_vreg.gather [hbm4b:s5+s2], $0x80, v3, vm0, $0xb8;
	[tilespmem:$0xC080] =	vst v63  }
0x64: {  	_ =	swait.ge [sflag:s0], $0xC000  }
0x65: {  	p0 =	sne.s32 s6, $0x1;
	[sflag:s0] =	ssyncset.done $0x0  }
.Ltmp0:
0x66: {  	s1 =	rddreg [dreg:$0x4];
	[sflag:s0] =	ssyncadd.s32 $0xFFFF4000;
	(pc) =	sbr.rel @p0 .LBB2_1-.Ltmp0, $4  }
0x67: {  	[hbm4b:s1+s2] =	stream.linear.scatter [tilespmem:s8], [sflag:$0x2], $0xC000, $0x38;
	[tilespmem:$0xC080] =	vst v63  }
0x68: {  	_ =	swait.ge [sflag:s7], $0xC000  }
0x69: {  	[sflag:s7] =	ssyncset.done $0x0  }
0x6a: {  	s6 =	sadd.s32 $0xFFFFFFFF, s6;
	[sflag:s7] =	ssyncadd.s32 $0xFFFF4000  }
0x6b: {  	_ =	sfence.sel $0x180000  }
0x6c: {  	[bflag:$0x0] =	sbarrier.arrive $0xFFFF  }
0x6d: {  	_ =	strace $0x9000004A  }
0x6e: {  	s0 =	stileid.u32;
	[bflag:$0x2] =	sbarrier.arrive $0xFFFF  }
0x6f: {  	p0 =	sne.s32 s0, $0x0;
	s0 =	rddreg [dreg:$0x2]  }
0x70: {  	s0 =	sadd.s32 @!p0 $0x100000, s0  }
0x71: {  	[sflag:s0] =	ssyncadd.tile.s32 @!p0 $0x1;
	_ =	shalt  }
.Lfunc_end2:
_tile_overlayer_lowered:
.L_overlay_start_2:
0x72: {  	(tag) =	ssettag $0x2  }
0x73: {  	s0 =	rddreg [dreg:$0x0];
	s2 =	stileid.u32  }
0x74: {  	s1 =	rddreg [dreg:$0x1];
	p0 =	sne.s32 s2, $0x0  }
0x75: {  	s3 =	rddreg [dreg:$0x2];
	[bflag:$0x3] =	sbarrier.arrive $0xFFFF;
	s2 =	simm.s32 @!p0 $0x1C02  }
0x76: {  	[timem:s3], [sflag:s2] =	dma.local @!p0 [hbm:s0], s1  }
0x77: {  	s0 =	simm.s32 @!p0 $0x2  }
0x78: {  	_ =	swait.ge @!p0 [sflag:s0], s1  }
0x79: {  	s1 =	ssub.s32 @!p0 $0x0, s1;
	[sflag:s0] =	ssyncset.done @!p0 $0x0  }
0x7a: {  	[sflag:s0] =	ssyncadd.s32 @!p0 s1  }
0x7b: {  	[bflag:$0x3] =	sbarrier.arrive $0xFFFF  }
0x7c: {  	_ =	shalt  }

// kernel: kernel.16.cloned.1.call-start
scs
__scs_entry_jumppad:
0x0: {  	(pc) =	sbr.rel $0x88, $3  }
0x1: {  	(tag) =	ssettag $0x0;
	lr =	simm.s32 $0x1  }
0x2: {  	[smem:$0x3F99] =	sst lr;
	_ =	strace $0xD0000000  }
0x3: {  	_ = 	snop  }
0x4: {  	_ = 	snop  }
0x5: {  	_ = 	snop  }
0x6: {  	_ = 	snop  }
0x7: {  	_ = 	snop  }
__scs_overlays_trampoline_lowered:
0x8: {  	[smem:$0x3FA8] =	sst s0  }
0x9: {  	[smem:$0x3FA9] =	sst s1  }
0xa: {  	[smem:$0x3FAA] =	sst s2  }
0xb: {  	[smem:$0x3FAB] =	sst s3  }
0xc: {  	[smem:$0x3FAC] =	sst s4  }
0xd: {  	[smem:$0x3FAD] =	sst s5  }
0xe: {  	[smem:$0x3FAE] =	sst s6  }
0xf: {  	[smem:$0x3FAF] =	sst s7  }
0x10: {  	[smem:$0x3FB0] =	sst s8  }
0x11: {  	[smem:$0x3FB1] =	sst s9;
	s0 =	simm.s32 @!p0 $0x0  }
0x12: {  	s1 =	sld [smem:$0x3F97];
	s0 =	simm.s32 @p0 $0x1  }
0x13: {  	[smem:$0x3FB2] =	sst s0;
	s0 =	simm.s32 @!p1 $0x0  }
0x14: {  	s2 =	sld [smem:$0x3F96];
	s0 =	simm.s32 @p1 $0x1  }
0x15: {  	[smem:$0x3FB3] =	sst s0;
	s0 =	simm.s32 @!p2 $0x0  }
0x16: {  	s3 =	sld [smem:$0x3FDB];
	s0 =	simm.s32 @p2 $0x1  }
0x17: {  	s4 =	simm.s32 $0x1BF5;
	[smem:$0x3FB5] =	sst s0  }
0x18: {  	s0 =	sld [smem:$0x3F98];
	_ =	swait.ge [sflag:s4], $0x0  }
0x19: {  	s7 =	sld [smem:$0x3F99]  }
0x1a: {  	s8 =	sadd.s32 $0xFFFFE003, lr  }
0x1b: {  	s9 =	sadd.s32 $0xFFFFFEF7, lr;
	s5 =	simm.s32 $0xFFFFFFFF;
	p2 =	slt.u32 s8, $0xFFFFF086  }
0x1c: {  	p1 =	slt.u32 s9, $0xF7A;
	s5 =	simm.s32 @!p2 $0x0  }
0x1d: {  	s5 =	simm.s32 @p1 $0x1;
	p0 =	seq.s32 s7, s2  }
0x1e: {  	s7 =	smul.u32 @!p0 $0xF7A, s2;
	p2 =	seq.s32 @!p0 s5, $0x0  }
0x1f: {  	s9 =	smul.u32 $0xF7A, s1;
	s8 =	simm.s32 @!p0 $0x1BF5;
	p2 =	por !p2, p0  }
0x20: {  	[sflag:s8] =	ssyncset.s32 @!p0 $0xFFFFF086;
	s6 =	sadd.s32 @!p0 s3, s7;
	s7 =	simm.s32 @!p0 $0x108  }
0x21: {  	s3 =	sadd.s32 s3, s9;
	s6 =	sadd.s32 @!p0 $0x88, s6;
	s7 =	simm.s32 @p2 $0x1082  }
0x22: {  	[simem:s7], [sflag:s8] =	dma.local @!p0 [hbm:s6], $0xF7A  }
0x23: {  	s9 =	sor.u32 $0xD0000000, s2;
	s6 =	simm.s32 $0x108;
	_ =	swait.ge @!p0 [sflag:s8], $0x0  }
0x24: {  	s3 =	sadd.s32 $0x88, s3;
	s6 =	simm.s32 @!p1 $0x1082;
	[sflag:s4] =	ssyncset.s32 $0xFFFFF086  }
0x25: {  	[simem:s6], [sflag:s4] =	dma.local [hbm:s3], $0xF7A  }
0x26: {  	[smem:$0x3F99] =	sst s1;
	(tag) =	ssettag s2;
	_ =	strace s9  }
0x27: {  	s1 =	sld [smem:$0x3FA9]  }
0x28: {  	s2 =	sld [smem:$0x3FAA]  }
0x29: {  	s4 =	sld [smem:$0x3FAC]  }
0x2a: {  	p0 =	seq.s32 s5, $0x0;
	s5 =	sld [smem:$0x3FAD]  }
0x2b: {  	s6 =	sld [smem:$0x3FAE]  }
0x2c: {  	s7 =	sld [smem:$0x3FAF]  }
0x2d: {  	s3 =	simm.s32 $0x108;
	s8 =	sld [smem:$0x3FB0]  }
0x2e: {  	s3 =	simm.s32 @!p0 $0x1082;
	s9 =	sld [smem:$0x3FB1]  }
0x2f: {  	lr =	sadd.s32 s0, s3;
	s0 =	sld [smem:$0x3FA8]  }
0x30: {  	s3 =	sld [smem:$0x3FAB]  }
0x31: {  	[smem:$0x3FB4] =	sst s10  }
0x32: {  	s10 =	sld [smem:$0x3FB2];
	_ =	sdelay $0x3  }
0x33: {  	p0 =	seq.s32 s10, $0x1;
	s10 =	sld [smem:$0x3FB4];
	_ =	sdelay $0x3  }
0x34: {  	[smem:$0x3FB4] =	sst s10  }
0x35: {  	s10 =	sld [smem:$0x3FB3];
	_ =	sdelay $0x3  }
0x36: {  	p1 =	seq.s32 s10, $0x1;
	s10 =	sld [smem:$0x3FB4];
	_ =	sdelay $0x3  }
0x37: {  	[smem:$0x3FB4] =	sst s10  }
0x38: {  	s10 =	sld [smem:$0x3FB5]  }
0x39: {  	_ = 	snop;
	(pc) =	sbr.ind lr, $3  }
0x3a: {  	_ = 	snop  }
0x3b: {  	_ = 	snop  }
0x3c: {  	p2 =	seq.s32 s10, $0x1;
	s10 =	sld [smem:$0x3FB4]  }
0x3d: {  	_ =	shalt  }
0x3e: {  	_ =	shalt  }
0x3f: {  	_ =	shalt  }
0x40: {  	_ =	shalt  }
0x41: {  	_ =	shalt  }
0x42: {  	_ =	shalt  }
0x43: {  	_ =	shalt  }
0x44: {  	_ =	shalt  }
0x45: {  	_ =	shalt  }
0x46: {  	_ =	shalt  }
0x47: {  	_ =	shalt  }
0x48: {  	_ =	shalt  }
0x49: {  	_ =	shalt  }
0x4a: {  	_ =	shalt  }
0x4b: {  	_ =	shalt  }
0x4c: {  	_ =	shalt  }
0x4d: {  	_ =	shalt  }
0x4e: {  	_ =	shalt  }
0x4f: {  	_ =	shalt  }
0x50: {  	_ =	shalt  }
0x51: {  	_ =	shalt  }
0x52: {  	_ =	shalt  }
0x53: {  	_ =	shalt  }
0x54: {  	_ =	shalt  }
0x55: {  	_ =	shalt  }
0x56: {  	_ =	shalt  }
0x57: {  	_ =	shalt  }
0x58: {  	_ =	shalt  }
0x59: {  	_ =	shalt  }
0x5a: {  	_ =	shalt  }
0x5b: {  	_ =	shalt  }
0x5c: {  	_ =	shalt  }
0x5d: {  	_ =	shalt  }
0x5e: {  	_ =	shalt  }
0x5f: {  	_ =	shalt  }
0x60: {  	_ =	shalt  }
0x61: {  	_ =	shalt  }
0x62: {  	_ =	shalt  }
0x63: {  	_ =	shalt  }
0x64: {  	_ =	shalt  }
0x65: {  	_ =	shalt  }
0x66: {  	_ =	shalt  }
0x67: {  	_ =	shalt  }
0x68: {  	_ =	shalt  }
0x69: {  	_ =	shalt  }
0x6a: {  	_ =	shalt  }
0x6b: {  	_ =	shalt  }
0x6c: {  	_ =	shalt  }
0x6d: {  	_ =	shalt  }
0x6e: {  	_ =	shalt  }
0x6f: {  	_ =	shalt  }
0x70: {  	_ =	shalt  }
0x71: {  	_ =	shalt  }
0x72: {  	_ =	shalt  }
0x73: {  	_ =	shalt  }
0x74: {  	_ =	shalt  }
0x75: {  	_ =	shalt  }
0x76: {  	_ =	shalt  }
0x77: {  	_ =	shalt  }
0x78: {  	_ =	shalt  }
0x79: {  	_ =	shalt  }
0x7a: {  	_ =	shalt  }
0x7b: {  	_ =	shalt  }
0x7c: {  	_ =	shalt  }
0x7d: {  	_ =	shalt  }
0x7e: {  	_ =	shalt  }
0x7f: {  	_ =	shalt  }
0x80: {  	_ =	shalt  }
0x81: {  	_ =	shalt  }
0x82: {  	_ =	shalt  }
0x83: {  	_ =	shalt  }
0x84: {  	_ =	shalt  }
0x85: {  	_ =	shalt  }
0x86: {  	_ =	shalt  }
0x87: {  	_ =	shalt  }
.Lfunc_end0:
.L_simem_size_0:
called_computation.2_lowered:
.L_overlay_start_0:
0x88: {  	s2 =	sld [smem:$0x3FD9]  }
0x89: {  	s3 =	sld [smem:$0x3FFE];
	_ =	sdelay $0x1  }
0x8a: {  	s1 =	srdreg.scid  }
0x8b: {  	s0 =	sand.u32 $0x1, s1  }
0x8c: {  	s17 =	sshll.u32 s0, $0xA;
	s2 =	sadd.s32 s3, s2  }
0x8d: {  	s2 =	sadd.s32 s2, s17  }
0x8e: {  	[smem:$0x3FC0] =	sst s2  }
0x8f: {  	_ = 	snop  }
0x90: {  	s2 =	sld [smem:$0x3FD0];
	(tm) =	ssettm $0x1  }
0x91: {  	s18 =	sld [smem:$0x3FFB];
	_ =	sdelay $0x3  }
0x92: {  	_ =	strace s18  }
0x93: {  	s3 =	sld [smem:$0x3FFC];
	_ =	sdelay $0x3  }
0x94: {  	_ =	strace s3  }
0x95: {  	s3 =	sld [smem:$0x3FFD];
	_ =	sdelay $0x3  }
0x96: {  	_ =	strace s3  }
0x97: {  	_ =	strace $0x8FFFFFFF  }
0x98: {  	s19 =	sld [smem:$0x3FDB];
	_ =	sdelay $0x1  }
0x99: {  	s4 =	simm.s32 $_scs_section_size  }
0x9a: {  	s5 =	simm.s32 $_size__tile_overlayer_lowered;
	s6 =	simm.s32 $_tile_overlayer_lowered  }
0x9b: {  	s22 =	simm.s32 $0x1BFF;
	s21 =	sshll.u32 s6, $0x1;
	s3 =	sadd.s32 s4, s19  }
0x9c: {  	s7 =	simm.s32 $0x0;
	s20 =	sshll.u32 s5, $0x1;
	s5 =	sadd.s32 s21, s3  }
0x9d: {  	[timem:s7], [sflag:s22] =	dma.local [hbm:s5], s20  }
0x9e: {  	_ =	swait.ge [sflag:s22], s20  }
0x9f: {  	s4 =	ssub.s32 $0x0, s20;
	[sflag:s22] =	ssyncset.done $0x0  }
0xa0: {  	[sflag:s22] =	ssyncadd.s32 s4;
	_ =	sdelay $0x1  }
0xa1: {  	s23 =	simm.s32 $0x1B8B  }
0xa2: {  	_ =	swait.ge [sflag:s23], $0x1  }
0xa3: {  	[sflag:s23] =	ssyncset.done $0x0  }
0xa4: {  	s25 =	simm.s32 $0x1B8E;
	s24 =	sld [smem:$0x3FFE];
	[sflag:s23] =	ssyncadd.s32 $0xFFFFFFFF  }
0xa5: {  	s26 =	simm.s32 $execute0_lowered;
	[smem:$0x3FD2] =	sst s25  }
0xa6: {  	s5 =	sshll.u32 s26, $0x1;
	_ =	strace $0x8000004C;
	[dreg:$0x1] =	wrdreg $0xFFFFFFFF  }
0xa7: {  	s28 =	simm.s32 $_size_execute0_lowered;
	s3 =	sadd.s32 s3, s5;
	[dreg:$0x0] =	wrdreg $0x0  }
0xa8: {  	s5 =	sshll.u32 s28, $0x1;
	[dreg:$0x2] =	wrdreg s3  }
0xa9: {  	[dreg:$0x3] =	wrdreg s5  }
0xaa: {  	[dreg:$0x4] =	wrdreg $0xC0  }
0xab: {  	_ =	task [dreg:s7], $0x5FFFF  }
0xac: {  	[dreg:$0x1] =	wrdreg $0xFFFFFFFF  }
0xad: {  	[dreg:$0x0] =	wrdreg $0x60  }
0xae: {  	[dreg:$0x2] =	wrdreg s2  }
0xaf: {  	[dreg:$0x3] =	wrdreg s24  }
0xb0: {  	[dreg:$0x4] =	wrdreg $0x9  }
0xb1: {  	_ =	task.clear_ibuf [dreg:s7], $0x5FFFF;
	_ =	strace $0x9000004C  }
0xb2: {  	s29 =	simm.s32 $0x9;
	_ =	strace $0x8000004E  }
0xb3: {  	_ =	swait.ge [sflag:s29], $0x1  }
0xb4: {  	[sflag:s29] =	ssyncadd.s32 $0xFFFFFFFF  }
0xb5: {  	_ =	strace $0x9000004E  }
0xb6: {  	_ =	sfence  }
0xb7: {  	s30 =	sld [smem:$0x0];
	_ =	sdelay $0x2  }
0xb8: {  	s31 =	sshll.u32 s1, $0xD;
	s1 =	sshrl.u32 s1, $0x2  }
0xb9: {  	s3 =	sand.u32 $0x4000, s31;
	s1 =	sadd.s32 s1, s30  }
0xba: {  	s0 =	sor.u32 s3, s0;
	s1 =	sshll.u32 s1, $0x11  }
0xbb: {  	s0 =	sor.u32 s1, s0  }
0xbc: {  	s0 =	sadd.s32 $0x8F2B, s0  }
0xbd: {  	[sflag:s0] =	ssyncadd.remote.s32 $0x1  }
0xbe: {  	_ =	sfence.sel $0xFFFF  }
0xbf: {  	[dreg:$0x0] =	wrdreg $0xFFFFFFFF;
	(pc) =	sbr.abs _section_cstart, $3  }
0xc0: {  	[dreg:$0x1] =	wrdreg $0xFFFFFFFF  }
0xc1: {  	_ =	task.clear_ibuf [dreg:s7], $0x2FFFF;
	_ =	strace $0x9FFFFFFF  }
0xc2: {  	(tm) =	ssettm $0x7FFFFFFF  }
0xc3: {  	_ =	shalt  }
tec
execute0_lowered:
.L_overlay_start_1:
0x0: {  	(tag) =	ssettag $0x1  }
0x1: {  	s1 =	srdreg.scid  }
0x2: {  	s0 =	stileid.u32;
	s3 =	rddreg [dreg:$0x0]  }
0x3: {  	s5 =	rddreg [dreg:$0x1];
	s8 =	simm.s32 $0x80;
	s26 =	simm.s32 $0x880  }
0x4: {  	s9 =	simm.s32 $0x1080;
	s10 =	simm.s32 $0x1880;
	s11 =	simm.s32 $0x2080  }
0x5: {  	s12 =	simm.s32 $0x2880;
	s13 =	simm.s32 $0x3080;
	s14 =	simm.s32 $0x3880  }
0x6: {  	s15 =	simm.s32 $0x4080;
	s16 =	simm.s32 $0x4880;
	s17 =	simm.s32 $0x5080  }
0x7: {  	s18 =	simm.s32 $0x5880;
	s19 =	simm.s32 $0x6080;
	s20 =	simm.s32 $0x6880  }
0x8: {  	s21 =	simm.s32 $0x7080;
	s22 =	simm.s32 $0x7880;
	s23 =	simm.s32 $0x8080  }
0x9: {  	s24 =	simm.s32 $0x8880;
	s25 =	simm.s32 $0x9080;
	s28 =	simm.s32 $0xA080  }
0xa: {  	s29 =	simm.s32 $0xA880;
	s1 =	sand.u32 $0x1, s1;
	s2 =	sshll.u32 s0, $0x1  }
0xb: {  	s30 =	simm.s32 $0xB080;
	s31 =	simm.s32 $0xB880;
	s4 =	sor.u32 s1, s2  }
0xc: {  	s2 =	simm.s32 $0x0;
	s1 =	ssub.s32 $0x2, s1;
	s6 =	sshll.u32 s4, $0x4  }
0xd: {  	[smem:$0x7FF] =	sst s2;
	s4 =	smul.u32 $0x1800, s4;
	s7 =	sshrl.u32 s1, $0x1  }
0xe: {  	s6 =	sadd.s32 s6, s5;
	_ =	strace $0x8000004D;
	s1 =	ssub.s32 s1, s7  }
0xf: {  	s7 =	simm.s32 $0x2;
	[dreg:$0x5] =	wrdreg s26;
	s6 =	sadd.s32 $0x1400, s6  }
0x10: {  	v2 =	vlaneseq.u32;
	s26 =	simm.s32 $0x9880;
	s4 =	sadd.s32 s3, s4;
	[dreg:$0x3] =	wrdreg s6  }
0x11: {  	vm0 =	vmmov $0xffff;
	v1 =	vshrl.u32 v2, $0x3;
	s3 =	sadd.s32 $0x1600, s5;
	[dreg:$0x4] =	wrdreg s4;
	s4 =	sadd.s32 $0x1700, s5  }
0x12: {  	v0 =	vand.u32 $0x7, v2;
	v2 =	vor.u32 $0x8, v2;
	v1 =	vmul.u32 $0x8, v1;
	s5 =	sadd.s32 $0x1800, s5;
	s6 =	smax.u32 s1, $0x1;
	s1 =	simm.s32 $0x1  }
.LBB2_1:
0x13: {  	s0 =	rddreg [dreg:$0x3]  }
0x14: {  	[tilespmem:s2], [sflag:$0x2] =	stream.linear.gather [hbm4b:s0+s2], $0x80, $0x38;
	[tilespmem:$0xC080] =	vst v63  }
0x15: {  	_ =	swait.ge [sflag:s7], $0x80  }
0x16: {  	[sflag:s7] =	ssyncset.done $0x0  }
0x17: {  	s0 =	rddreg [dreg:$0x4];
	[sflag:s7] =	ssyncadd.s32 $0xFFFFFF80  }
0x18: {  	[tilespmem:s8], [sflag:$0x2] =	stream.linear.gather [hbm4b:s0+s2], $0xC000, $0x38;
	[tilespmem:$0xC080] =	vst v63  }
0x19: {  	_ =	swait.ge [sflag:s7], $0xC000  }
0x1a: {  	[sflag:s7] =	ssyncset.done $0x0  }
0x1b: {  	[sflag:s7] =	ssyncadd.s32 $0xFFFF4000  }
0x1c: {  	v3 =	vld [tilespmem:$0x0];
	_ =	sdelay $0x4  }
0x1d: {  	v4 =	vshrl.u32 v3, $0x3  }
0x1e: {  	v4 =	vmul.u32 $0x30, v4  }
0x1f: {  	v3 =	vand.u32 $0x7, v3  }
0x20: {  	v3 =	vor.u32 v3, v4  }
0x21: {  	v4 =	vperm.xlane v3, v0;
	_ =	sdelay $0x1  }
0x22: {  	v4 =	vadd.s32 v1, v4;
	_ =	sdelay $0x3  }
0x23: {  	v3 =	vperm.xlane v3, v2  }
0x24: {  	[hbm4b:s3+s2] =	stream.indirect_vreg.scatter [tilespmem:s8], [sflag:$0x1], $0x80, v4, vm0, $0xb8;
	[tilespmem:$0xC080] =	vst v63  }
0x25: {  	s0 =	rddreg [dreg:$0x5];
	v3 =	vadd.s32 v1, v3  }
0x26: {  	[hbm4b:s4+s2] =	stream.indirect_vreg.scatter [tilespmem:s0], [sflag:$0x1], $0x80, v4, vm0, $0xb8;
	[tilespmem:$0xC080] =	vst v63  }
0x27: {  	_ = 	snop  }
0x28: {  	[hbm4b:s5+s2] =	stream.indirect_vreg.scatter [tilespmem:s9], [sflag:$0x1], $0x80, v4, vm0, $0xb8;
	[tilespmem:$0xC080] =	vst v63  }
0x29: {  	_ = 	snop  }
0x2a: {  	[hbm4b:s3+s2] =	stream.indirect_vreg.scatter [tilespmem:s10], [sflag:$0x1], $0x80, v3, vm0, $0xb8;
	[tilespmem:$0xC080] =	vst v63  }
0x2b: {  	_ = 	snop  }
0x2c: {  	[hbm4b:s4+s2] =	stream.indirect_vreg.scatter [tilespmem:s11], [sflag:$0x1], $0x80, v3, vm0, $0xb8;
	[tilespmem:$0xC080] =	vst v63  }
0x2d: {  	_ = 	snop  }
0x2e: {  	[hbm4b:s5+s2] =	stream.indirect_vreg.scatter [tilespmem:s12], [sflag:$0x1], $0x80, v3, vm0, $0xb8;
	[tilespmem:$0xC080] =	vst v63  }
0x2f: {  	v3 =	vld [tilespmem:$0x10];
	_ =	sdelay $0x4  }
0x30: {  	v61 =	vshrl.u32 v3, $0x3  }
0x31: {  	v4 =	vmul.u32 $0x30, v61  }
0x32: {  	v3 =	vand.u32 $0x7, v3  }
0x33: {  	v3 =	vor.u32 v3, v4  }
0x34: {  	v4 =	vperm.xlane v3, v0;
	_ =	sdelay $0x1  }
0x35: {  	v4 =	vadd.s32 v1, v4;
	_ =	sdelay $0x3  }
0x36: {  	v3 =	vperm.xlane v3, v2  }
0x37: {  	[hbm4b:s3+s2] =	stream.indirect_vreg.scatter [tilespmem:s13], [sflag:$0x1], $0x80, v4, vm0, $0xb8;
	[tilespmem:$0xC080] =	vst v63  }
0x38: {  	v3 =	vadd.s32 v1, v3  }
0x39: {  	[hbm4b:s4+s2] =	stream.indirect_vreg.scatter [tilespmem:s14], [sflag:$0x1], $0x80, v4, vm0, $0xb8;
	[tilespmem:$0xC080] =	vst v63  }
0x3a: {  	_ = 	snop  }
0x3b: {  	[hbm4b:s5+s2] =	stream.indirect_vreg.scatter [tilespmem:s15], [sflag:$0x1], $0x80, v4, vm0, $0xb8;
	[tilespmem:$0xC080] =	vst v63  }
0x3c: {  	_ = 	snop  }
0x3d: {  	[hbm4b:s3+s2] =	stream.indirect_vreg.scatter [tilespmem:s16], [sflag:$0x1], $0x80, v3, vm0, $0xb8;
	[tilespmem:$0xC080] =	vst v63  }
0x3e: {  	_ = 	snop  }
0x3f: {  	[hbm4b:s4+s2] =	stream.indirect_vreg.scatter [tilespmem:s17], [sflag:$0x1], $0x80, v3, vm0, $0xb8;
	[tilespmem:$0xC080] =	vst v63  }
0x40: {  	_ = 	snop  }
0x41: {  	[hbm4b:s5+s2] =	stream.indirect_vreg.scatter [tilespmem:s18], [sflag:$0x1], $0x80, v3, vm0, $0xb8;
	[tilespmem:$0xC080] =	vst v63  }
0x42: {  	v3 =	vld [tilespmem:$0x20];
	_ =	sdelay $0x4  }
0x43: {  	v62 =	vshrl.u32 v3, $0x3  }
0x44: {  	v4 =	vmul.u32 $0x30, v62  }
0x45: {  	v3 =	vand.u32 $0x7, v3  }
0x46: {  	v3 =	vor.u32 v3, v4  }
0x47: {  	v4 =	vperm.xlane v3, v0;
	_ =	sdelay $0x1  }
0x48: {  	v4 =	vadd.s32 v1, v4;
	_ =	sdelay $0x3  }
0x49: {  	v3 =	vperm.xlane v3, v2  }
0x4a: {  	[hbm4b:s3+s2] =	stream.indirect_vreg.scatter [tilespmem:s19], [sflag:$0x1], $0x80, v4, vm0, $0xb8;
	[tilespmem:$0xC080] =	vst v63  }
0x4b: {  	v3 =	vadd.s32 v1, v3  }
0x4c: {  	[hbm4b:s4+s2] =	stream.indirect_vreg.scatter [tilespmem:s20], [sflag:$0x1], $0x80, v4, vm0, $0xb8;
	[tilespmem:$0xC080] =	vst v63  }
0x4d: {  	_ = 	snop  }
0x4e: {  	[hbm4b:s5+s2] =	stream.indirect_vreg.scatter [tilespmem:s21], [sflag:$0x1], $0x80, v4, vm0, $0xb8;
	[tilespmem:$0xC080] =	vst v63  }
0x4f: {  	_ = 	snop  }
0x50: {  	[hbm4b:s3+s2] =	stream.indirect_vreg.scatter [tilespmem:s22], [sflag:$0x1], $0x80, v3, vm0, $0xb8;
	[tilespmem:$0xC080] =	vst v63  }
0x51: {  	_ = 	snop  }
0x52: {  	[hbm4b:s4+s2] =	stream.indirect_vreg.scatter [tilespmem:s23], [sflag:$0x1], $0x80, v3, vm0, $0xb8;
	[tilespmem:$0xC080] =	vst v63  }
0x53: {  	_ = 	snop  }
0x54: {  	[hbm4b:s5+s2] =	stream.indirect_vreg.scatter [tilespmem:s24], [sflag:$0x1], $0x80, v3, vm0, $0xb8;
	[tilespmem:$0xC080] =	vst v63  }
0x55: {  	v3 =	vld [tilespmem:$0x30];
	_ =	sdelay $0x4  }
0x56: {  	v63 =	vshrl.u32 v3, $0x3  }
0x57: {  	v4 =	vmul.u32 $0x30, v63  }
0x58: {  	v3 =	vand.u32 $0x7, v3  }
0x59: {  	v3 =	vor.u32 v3, v4  }
0x5a: {  	v4 =	vperm.xlane v3, v0;
	_ =	sdelay $0x1  }
0x5b: {  	v4 =	vadd.s32 v1, v4;
	_ =	sdelay $0x3  }
0x5c: {  	v3 =	vperm.xlane v3, v2  }
0x5d: {  	[hbm4b:s3+s2] =	stream.indirect_vreg.scatter [tilespmem:s25], [sflag:$0x1], $0x80, v4, vm0, $0xb8;
	[tilespmem:$0xC080] =	vst v63  }
0x5e: {  	v3 =	vadd.s32 v1, v3  }
0x5f: {  	[hbm4b:s4+s2] =	stream.indirect_vreg.scatter [tilespmem:s26], [sflag:$0x1], $0x80, v4, vm0, $0xb8;
	[tilespmem:$0xC080] =	vst v63  }
0x60: {  	_ = 	snop  }
0x61: {  	[hbm4b:s5+s2] =	stream.indirect_vreg.scatter [tilespmem:s28], [sflag:$0x1], $0x80, v4, vm0, $0xb8;
	[tilespmem:$0xC080] =	vst v63  }
0x62: {  	_ = 	snop  }
0x63: {  	[hbm4b:s3+s2] =	stream.indirect_vreg.scatter [tilespmem:s29], [sflag:$0x1], $0x80, v3, vm0, $0xb8;
	[tilespmem:$0xC080] =	vst v63  }
0x64: {  	p0 =	sne.s32 s6, $0x1  }
0x65: {  	[hbm4b:s4+s2] =	stream.indirect_vreg.scatter [tilespmem:s30], [sflag:$0x1], $0x80, v3, vm0, $0xb8;
	[tilespmem:$0xC080] =	vst v63  }
.Ltmp0:
0x66: {  	_ = 	snop;
	(pc) =	sbr.rel @p0 .LBB2_1-.Ltmp0, $4  }
0x67: {  	[hbm4b:s5+s2] =	stream.indirect_vreg.scatter [tilespmem:s31], [sflag:$0x1], $0x80, v3, vm0, $0xb8;
	[tilespmem:$0xC080] =	vst v63  }
0x68: {  	_ =	swait.ge [sflag:s1], $0xC000  }
0x69: {  	[sflag:s1] =	ssyncset.done $0x0  }
0x6a: {  	s6 =	sadd.s32 $0xFFFFFFFF, s6;
	[sflag:s1] =	ssyncadd.s32 $0xFFFF4000  }
0x6b: {  	_ =	sfence.sel $0x180000  }
0x6c: {  	[bflag:$0x0] =	sbarrier.arrive $0xFFFF  }
0x6d: {  	_ =	strace $0x9000004D  }
0x6e: {  	s0 =	stileid.u32;
	[bflag:$0x2] =	sbarrier.arrive $0xFFFF  }
0x6f: {  	p0 =	sne.s32 s0, $0x0;
	s0 =	rddreg [dreg:$0x2]  }
0x70: {  	s0 =	sadd.s32 @!p0 $0x100000, s0  }
0x71: {  	[sflag:s0] =	ssyncadd.tile.s32 @!p0 $0x1;
	_ =	shalt  }
.Lfunc_end2:
_tile_overlayer_lowered:
.L_overlay_start_2:
0x72: {  	(tag) =	ssettag $0x2  }
0x73: {  	s0 =	rddreg [dreg:$0x0];
	s2 =	stileid.u32  }
0x74: {  	s1 =	rddreg [dreg:$0x1];
	p0 =	sne.s32 s2, $0x0  }
0x75: {  	s3 =	rddreg [dreg:$0x2];
	[bflag:$0x3] =	sbarrier.arrive $0xFFFF;
	s2 =	simm.s32 @!p0 $0x1C02  }
0x76: {  	[timem:s3], [sflag:s2] =	dma.local @!p0 [hbm:s0], s1  }
0x77: {  	s0 =	simm.s32 @!p0 $0x2  }
0x78: {  	_ =	swait.ge @!p0 [sflag:s0], s1  }
0x79: {  	s1 =	ssub.s32 @!p0 $0x0, s1;
	[sflag:s0] =	ssyncset.done @!p0 $0x0  }
0x7a: {  	[sflag:s0] =	ssyncadd.s32 @!p0 s1  }
0x7b: {  	[bflag:$0x3] =	sbarrier.arrive $0xFFFF  }
0x7c: {  	_ =	shalt  }

// kernel: kernel.19.cloned.1.call-start
scs
__scs_entry_jumppad:
0x0: {  	(pc) =	sbr.rel $0x88, $3  }
0x1: {  	(tag) =	ssettag $0x0;
	lr =	simm.s32 $0x1  }
0x2: {  	[smem:$0x3F99] =	sst lr;
	_ =	strace $0xD0000000  }
0x3: {  	_ = 	snop  }
0x4: {  	_ = 	snop  }
0x5: {  	_ = 	snop  }
0x6: {  	_ = 	snop  }
0x7: {  	_ = 	snop  }
__scs_overlays_trampoline_lowered:
0x8: {  	[smem:$0x3FA8] =	sst s0  }
0x9: {  	[smem:$0x3FA9] =	sst s1  }
0xa: {  	[smem:$0x3FAA] =	sst s2  }
0xb: {  	[smem:$0x3FAB] =	sst s3  }
0xc: {  	[smem:$0x3FAC] =	sst s4  }
0xd: {  	[smem:$0x3FAD] =	sst s5  }
0xe: {  	[smem:$0x3FAE] =	sst s6  }
0xf: {  	[smem:$0x3FAF] =	sst s7  }
0x10: {  	[smem:$0x3FB0] =	sst s8  }
0x11: {  	[smem:$0x3FB1] =	sst s9;
	s0 =	simm.s32 @!p0 $0x0  }
0x12: {  	s1 =	sld [smem:$0x3F97];
	s0 =	simm.s32 @p0 $0x1  }
0x13: {  	[smem:$0x3FB2] =	sst s0;
	s0 =	simm.s32 @!p1 $0x0  }
0x14: {  	s2 =	sld [smem:$0x3F96];
	s0 =	simm.s32 @p1 $0x1  }
0x15: {  	[smem:$0x3FB3] =	sst s0;
	s0 =	simm.s32 @!p2 $0x0  }
0x16: {  	s3 =	sld [smem:$0x3FDB];
	s0 =	simm.s32 @p2 $0x1  }
0x17: {  	s4 =	simm.s32 $0x1BF5;
	[smem:$0x3FB5] =	sst s0  }
0x18: {  	s0 =	sld [smem:$0x3F98];
	_ =	swait.ge [sflag:s4], $0x0  }
0x19: {  	s7 =	sld [smem:$0x3F99]  }
0x1a: {  	s8 =	sadd.s32 $0xFFFFE003, lr  }
0x1b: {  	s9 =	sadd.s32 $0xFFFFFEF7, lr;
	s5 =	simm.s32 $0xFFFFFFFF;
	p2 =	slt.u32 s8, $0xFFFFF086  }
0x1c: {  	p1 =	slt.u32 s9, $0xF7A;
	s5 =	simm.s32 @!p2 $0x0  }
0x1d: {  	s5 =	simm.s32 @p1 $0x1;
	p0 =	seq.s32 s7, s2  }
0x1e: {  	s7 =	smul.u32 @!p0 $0xF7A, s2;
	p2 =	seq.s32 @!p0 s5, $0x0  }
0x1f: {  	s9 =	smul.u32 $0xF7A, s1;
	s8 =	simm.s32 @!p0 $0x1BF5;
	p2 =	por !p2, p0  }
0x20: {  	[sflag:s8] =	ssyncset.s32 @!p0 $0xFFFFF086;
	s6 =	sadd.s32 @!p0 s3, s7;
	s7 =	simm.s32 @!p0 $0x108  }
0x21: {  	s3 =	sadd.s32 s3, s9;
	s6 =	sadd.s32 @!p0 $0x88, s6;
	s7 =	simm.s32 @p2 $0x1082  }
0x22: {  	[simem:s7], [sflag:s8] =	dma.local @!p0 [hbm:s6], $0xF7A  }
0x23: {  	s9 =	sor.u32 $0xD0000000, s2;
	s6 =	simm.s32 $0x108;
	_ =	swait.ge @!p0 [sflag:s8], $0x0  }
0x24: {  	s3 =	sadd.s32 $0x88, s3;
	s6 =	simm.s32 @!p1 $0x1082;
	[sflag:s4] =	ssyncset.s32 $0xFFFFF086  }
0x25: {  	[simem:s6], [sflag:s4] =	dma.local [hbm:s3], $0xF7A  }
0x26: {  	[smem:$0x3F99] =	sst s1;
	(tag) =	ssettag s2;
	_ =	strace s9  }
0x27: {  	s1 =	sld [smem:$0x3FA9]  }
0x28: {  	s2 =	sld [smem:$0x3FAA]  }
0x29: {  	s4 =	sld [smem:$0x3FAC]  }
0x2a: {  	p0 =	seq.s32 s5, $0x0;
	s5 =	sld [smem:$0x3FAD]  }
0x2b: {  	s6 =	sld [smem:$0x3FAE]  }
0x2c: {  	s7 =	sld [smem:$0x3FAF]  }
0x2d: {  	s3 =	simm.s32 $0x108;
	s8 =	sld [smem:$0x3FB0]  }
0x2e: {  	s3 =	simm.s32 @!p0 $0x1082;
	s9 =	sld [smem:$0x3FB1]  }
0x2f: {  	lr =	sadd.s32 s0, s3;
	s0 =	sld [smem:$0x3FA8]  }
0x30: {  	s3 =	sld [smem:$0x3FAB]  }
0x31: {  	[smem:$0x3FB4] =	sst s10  }
0x32: {  	s10 =	sld [smem:$0x3FB2];
	_ =	sdelay $0x3  }
0x33: {  	p0 =	seq.s32 s10, $0x1;
	s10 =	sld [smem:$0x3FB4];
	_ =	sdelay $0x3  }
0x34: {  	[smem:$0x3FB4] =	sst s10  }
0x35: {  	s10 =	sld [smem:$0x3FB3];
	_ =	sdelay $0x3  }
0x36: {  	p1 =	seq.s32 s10, $0x1;
	s10 =	sld [smem:$0x3FB4];
	_ =	sdelay $0x3  }
0x37: {  	[smem:$0x3FB4] =	sst s10  }
0x38: {  	s10 =	sld [smem:$0x3FB5]  }
0x39: {  	_ = 	snop;
	(pc) =	sbr.ind lr, $3  }
0x3a: {  	_ = 	snop  }
0x3b: {  	_ = 	snop  }
0x3c: {  	p2 =	seq.s32 s10, $0x1;
	s10 =	sld [smem:$0x3FB4]  }
0x3d: {  	_ =	shalt  }
0x3e: {  	_ =	shalt  }
0x3f: {  	_ =	shalt  }
0x40: {  	_ =	shalt  }
0x41: {  	_ =	shalt  }
0x42: {  	_ =	shalt  }
0x43: {  	_ =	shalt  }
0x44: {  	_ =	shalt  }
0x45: {  	_ =	shalt  }
0x46: {  	_ =	shalt  }
0x47: {  	_ =	shalt  }
0x48: {  	_ =	shalt  }
0x49: {  	_ =	shalt  }
0x4a: {  	_ =	shalt  }
0x4b: {  	_ =	shalt  }
0x4c: {  	_ =	shalt  }
0x4d: {  	_ =	shalt  }
0x4e: {  	_ =	shalt  }
0x4f: {  	_ =	shalt  }
0x50: {  	_ =	shalt  }
0x51: {  	_ =	shalt  }
0x52: {  	_ =	shalt  }
0x53: {  	_ =	shalt  }
0x54: {  	_ =	shalt  }
0x55: {  	_ =	shalt  }
0x56: {  	_ =	shalt  }
0x57: {  	_ =	shalt  }
0x58: {  	_ =	shalt  }
0x59: {  	_ =	shalt  }
0x5a: {  	_ =	shalt  }
0x5b: {  	_ =	shalt  }
0x5c: {  	_ =	shalt  }
0x5d: {  	_ =	shalt  }
0x5e: {  	_ =	shalt  }
0x5f: {  	_ =	shalt  }
0x60: {  	_ =	shalt  }
0x61: {  	_ =	shalt  }
0x62: {  	_ =	shalt  }
0x63: {  	_ =	shalt  }
0x64: {  	_ =	shalt  }
0x65: {  	_ =	shalt  }
0x66: {  	_ =	shalt  }
0x67: {  	_ =	shalt  }
0x68: {  	_ =	shalt  }
0x69: {  	_ =	shalt  }
0x6a: {  	_ =	shalt  }
0x6b: {  	_ =	shalt  }
0x6c: {  	_ =	shalt  }
0x6d: {  	_ =	shalt  }
0x6e: {  	_ =	shalt  }
0x6f: {  	_ =	shalt  }
0x70: {  	_ =	shalt  }
0x71: {  	_ =	shalt  }
0x72: {  	_ =	shalt  }
0x73: {  	_ =	shalt  }
0x74: {  	_ =	shalt  }
0x75: {  	_ =	shalt  }
0x76: {  	_ =	shalt  }
0x77: {  	_ =	shalt  }
0x78: {  	_ =	shalt  }
0x79: {  	_ =	shalt  }
0x7a: {  	_ =	shalt  }
0x7b: {  	_ =	shalt  }
0x7c: {  	_ =	shalt  }
0x7d: {  	_ =	shalt  }
0x7e: {  	_ =	shalt  }
0x7f: {  	_ =	shalt  }
0x80: {  	_ =	shalt  }
0x81: {  	_ =	shalt  }
0x82: {  	_ =	shalt  }
0x83: {  	_ =	shalt  }
0x84: {  	_ =	shalt  }
0x85: {  	_ =	shalt  }
0x86: {  	_ =	shalt  }
0x87: {  	_ =	shalt  }
.Lfunc_end0:
.L_simem_size_0:
called_computation.3_lowered:
.L_overlay_start_0:
0x88: {  	s2 =	sld [smem:$0x3FD9]  }
0x89: {  	s3 =	sld [smem:$0x3FFE];
	_ =	sdelay $0x1  }
0x8a: {  	s1 =	srdreg.scid  }
0x8b: {  	s0 =	sand.u32 $0x1, s1  }
0x8c: {  	s17 =	sshll.u32 s0, $0xA;
	s2 =	sadd.s32 s3, s2  }
0x8d: {  	s2 =	sadd.s32 s2, s17  }
0x8e: {  	[smem:$0x3FC0] =	sst s2  }
0x8f: {  	_ = 	snop  }
0x90: {  	s2 =	sld [smem:$0x3FD0];
	(tm) =	ssettm $0x1  }
0x91: {  	s18 =	sld [smem:$0x3FFB];
	_ =	sdelay $0x3  }
0x92: {  	_ =	strace s18  }
0x93: {  	s3 =	sld [smem:$0x3FFC];
	_ =	sdelay $0x3  }
0x94: {  	_ =	strace s3  }
0x95: {  	s3 =	sld [smem:$0x3FFD];
	_ =	sdelay $0x3  }
0x96: {  	_ =	strace s3  }
0x97: {  	_ =	strace $0x8FFFFFFF  }
0x98: {  	s19 =	sld [smem:$0x3FDB];
	_ =	sdelay $0x1  }
0x99: {  	s4 =	simm.s32 $_scs_section_size  }
0x9a: {  	s5 =	simm.s32 $_size__tile_overlayer_lowered;
	s6 =	simm.s32 $_tile_overlayer_lowered  }
0x9b: {  	s22 =	simm.s32 $0x1BFF;
	s21 =	sshll.u32 s6, $0x1;
	s3 =	sadd.s32 s4, s19  }
0x9c: {  	s7 =	simm.s32 $0x0;
	s20 =	sshll.u32 s5, $0x1;
	s5 =	sadd.s32 s21, s3  }
0x9d: {  	[timem:s7], [sflag:s22] =	dma.local [hbm:s5], s20  }
0x9e: {  	_ =	swait.ge [sflag:s22], s20  }
0x9f: {  	s4 =	ssub.s32 $0x0, s20;
	[sflag:s22] =	ssyncset.done $0x0  }
0xa0: {  	[sflag:s22] =	ssyncadd.s32 s4;
	_ =	sdelay $0x1  }
0xa1: {  	s23 =	simm.s32 $0x1B8B  }
0xa2: {  	_ =	swait.ge [sflag:s23], $0x1  }
0xa3: {  	[sflag:s23] =	ssyncset.done $0x0  }
0xa4: {  	s25 =	simm.s32 $0x1B8E;
	s24 =	sld [smem:$0x3FFE];
	[sflag:s23] =	ssyncadd.s32 $0xFFFFFFFF  }
0xa5: {  	s26 =	simm.s32 $execute0_lowered;
	[smem:$0x3FD2] =	sst s25  }
0xa6: {  	s5 =	sshll.u32 s26, $0x1;
	_ =	strace $0x8000004F;
	[dreg:$0x1] =	wrdreg $0xFFFFFFFF  }
0xa7: {  	s28 =	simm.s32 $_size_execute0_lowered;
	s3 =	sadd.s32 s3, s5;
	[dreg:$0x0] =	wrdreg $0x0  }
0xa8: {  	s5 =	sshll.u32 s28, $0x1;
	[dreg:$0x2] =	wrdreg s3  }
0xa9: {  	[dreg:$0x3] =	wrdreg s5  }
0xaa: {  	[dreg:$0x4] =	wrdreg $0xC0  }
0xab: {  	_ =	task [dreg:s7], $0x5FFFF  }
0xac: {  	[dreg:$0x1] =	wrdreg $0xFFFFFFFF  }
0xad: {  	[dreg:$0x0] =	wrdreg $0x60  }
0xae: {  	[dreg:$0x2] =	wrdreg s24  }
0xaf: {  	[dreg:$0x3] =	wrdreg s2  }
0xb0: {  	[dreg:$0x4] =	wrdreg $0x9  }
0xb1: {  	_ =	task.clear_ibuf [dreg:s7], $0x5FFFF;
	_ =	strace $0x9000004F  }
0xb2: {  	s29 =	simm.s32 $0x9;
	_ =	strace $0x80000051  }
0xb3: {  	_ =	swait.ge [sflag:s29], $0x1  }
0xb4: {  	[sflag:s29] =	ssyncadd.s32 $0xFFFFFFFF  }
0xb5: {  	_ =	strace $0x90000051  }
0xb6: {  	_ =	sfence  }
0xb7: {  	s30 =	sld [smem:$0x0];
	_ =	sdelay $0x2  }
0xb8: {  	s31 =	sshll.u32 s1, $0xD;
	s1 =	sshrl.u32 s1, $0x2  }
0xb9: {  	s3 =	sand.u32 $0x4000, s31;
	s1 =	sadd.s32 s1, s30  }
0xba: {  	s0 =	sor.u32 s3, s0;
	s1 =	sshll.u32 s1, $0x11  }
0xbb: {  	s0 =	sor.u32 s1, s0  }
0xbc: {  	s0 =	sadd.s32 $0x8F2B, s0  }
0xbd: {  	[sflag:s0] =	ssyncadd.remote.s32 $0x1  }
0xbe: {  	_ =	sfence.sel $0xFFFF  }
0xbf: {  	[dreg:$0x0] =	wrdreg $0xFFFFFFFF;
	(pc) =	sbr.abs _section_cstart, $3  }
0xc0: {  	[dreg:$0x1] =	wrdreg $0xFFFFFFFF  }
0xc1: {  	_ =	task.clear_ibuf [dreg:s7], $0x2FFFF;
	_ =	strace $0x9FFFFFFF  }
0xc2: {  	(tm) =	ssettm $0x7FFFFFFF  }
0xc3: {  	_ =	shalt  }
tec
execute0_lowered:
.L_overlay_start_1:
0x0: {  	(tag) =	ssettag $0x1  }
0x1: {  	s0 =	rddreg [dreg:$0x0]  }
0x2: {  	s5 =	rddreg [dreg:$0x1];
	s3 =	srdreg.scid  }
0x3: {  	s2 =	simm.s32 $0x0;
	s1 =	stileid.u32;
	s26 =	simm.s32 $0x880  }
0x4: {  	s10 =	simm.s32 $0x1880;
	s11 =	simm.s32 $0x2080;
	s12 =	simm.s32 $0x2880  }
0x5: {  	s13 =	simm.s32 $0x3080;
	s14 =	simm.s32 $0x3880;
	s15 =	simm.s32 $0x4080  }
0x6: {  	s16 =	simm.s32 $0x4880;
	s17 =	simm.s32 $0x5080;
	s18 =	simm.s32 $0x5880  }
0x7: {  	s19 =	simm.s32 $0x6080;
	s20 =	simm.s32 $0x6880;
	s21 =	simm.s32 $0x7080  }
0x8: {  	s22 =	simm.s32 $0x7880;
	s28 =	simm.s32 $0xA080;
	s29 =	simm.s32 $0xA880  }
0x9: {  	s30 =	simm.s32 $0xB080;
	s31 =	simm.s32 $0xB880;
	s3 =	sand.u32 $0x1, s3  }
0xa: {  	[smem:$0x7FF] =	sst s2;
	s4 =	sshll.u32 s1, $0x4;
	s6 =	sshll.u32 s3, $0x3  }
0xb: {  	_ =	strace $0x80000050;
	s23 =	ssub.s32 $0x2, s3;
	s3 =	sadd.s32 $0x1400, s0  }
0xc: {  	[dreg:$0x5] =	wrdreg s26;
	s26 =	simm.s32 $0x9880;
	s4 =	sor.u32 s6, s4  }
0xd: {  	s8 =	sshrl.u32 s23, $0x1;
	s7 =	sadd.s32 s4, s0;
	s9 =	smul.u32 $0x300, s4  }
0xe: {  	s6 =	ssub.s32 s23, s8;
	s4 =	sadd.s32 $0x1500, s0;
	s8 =	simm.s32 $0x80  }
0xf: {  	s23 =	simm.s32 $0x8080;
	s24 =	sadd.s32 $0x1200, s7;
	s6 =	smax.u32 s6, $0x1  }
0x10: {  	v2 =	vlaneseq.u32;
	s7 =	simm.s32 $0x2;
	[dreg:$0x3] =	wrdreg s24;
	s25 =	sadd.s32 s5, s9  }
0x11: {  	vm0 =	vmmov $0xffff;
	v1 =	vshrl.u32 v2, $0x3;
	s5 =	sadd.s32 $0x1600, s0;
	s9 =	simm.s32 $0x1080;
	s24 =	simm.s32 $0x8880  }
0x12: {  	v0 =	vand.u32 $0x7, v2;
	v2 =	vor.u32 $0x8, v2;
	v1 =	vmul.u32 $0x8, v1;
	s0 =	simm.s32 $0x1;
	[dreg:$0x4] =	wrdreg s25;
	s25 =	simm.s32 $0x9080  }
.LBB2_1:
0x13: {  	s1 =	rddreg [dreg:$0x3]  }
0x14: {  	[tilespmem:s2], [sflag:$0x2] =	stream.linear.gather [hbm4b:s1+s2], $0x40, $0x38;
	[tilespmem:$0xC080] =	vst v63  }
0x15: {  	_ =	swait.ge [sflag:s7], $0x40  }
0x16: {  	[sflag:s7] =	ssyncset.done $0x0  }
0x17: {  	[sflag:s7] =	ssyncadd.s32 $0xFFFFFFC0  }
0x18: {  	v3 =	vld [tilespmem:$0x0];
	_ =	sdelay $0x4  }
0x19: {  	v4 =	vshrl.u32 v3, $0x3  }
0x1a: {  	v4 =	vmul.u32 $0x30, v4  }
0x1b: {  	v3 =	vand.u32 $0x7, v3  }
0x1c: {  	v3 =	vor.u32 v3, v4  }
0x1d: {  	v4 =	vperm.xlane v3, v0;
	_ =	sdelay $0x1  }
0x1e: {  	v4 =	vadd.s32 v1, v4;
	_ =	sdelay $0x3  }
0x1f: {  	v3 =	vperm.xlane v3, v2  }
0x20: {  	[tilespmem:s8], [sflag:$0x1] =	stream.indirect_vreg.gather [hbm4b:s3+s2], $0x80, v4, vm0, $0xb8;
	[tilespmem:$0xC080] =	vst v63  }
0x21: {  	s1 =	rddreg [dreg:$0x5];
	v3 =	vadd.s32 v1, v3  }
0x22: {  	[tilespmem:s1], [sflag:$0x1] =	stream.indirect_vreg.gather [hbm4b:s4+s2], $0x80, v4, vm0, $0xb8;
	[tilespmem:$0xC080] =	vst v63  }
0x23: {  	_ = 	snop  }
0x24: {  	[tilespmem:s9], [sflag:$0x1] =	stream.indirect_vreg.gather [hbm4b:s5+s2], $0x80, v4, vm0, $0xb8;
	[tilespmem:$0xC080] =	vst v63  }
0x25: {  	_ = 	snop  }
0x26: {  	[tilespmem:s10], [sflag:$0x1] =	stream.indirect_vreg.gather [hbm4b:s3+s2], $0x80, v3, vm0, $0xb8;
	[tilespmem:$0xC080] =	vst v63  }
0x27: {  	_ = 	snop  }
0x28: {  	[tilespmem:s11], [sflag:$0x1] =	stream.indirect_vreg.gather [hbm4b:s4+s2], $0x80, v3, vm0, $0xb8;
	[tilespmem:$0xC080] =	vst v63  }
0x29: {  	_ = 	snop  }
0x2a: {  	[tilespmem:s12], [sflag:$0x1] =	stream.indirect_vreg.gather [hbm4b:s5+s2], $0x80, v3, vm0, $0xb8;
	[tilespmem:$0xC080] =	vst v63  }
0x2b: {  	v3 =	vld [tilespmem:$0x10];
	_ =	sdelay $0x4  }
0x2c: {  	v61 =	vshrl.u32 v3, $0x3  }
0x2d: {  	v4 =	vmul.u32 $0x30, v61  }
0x2e: {  	v3 =	vand.u32 $0x7, v3  }
0x2f: {  	v3 =	vor.u32 v3, v4  }
0x30: {  	v4 =	vperm.xlane v3, v0;
	_ =	sdelay $0x1  }
0x31: {  	v4 =	vadd.s32 v1, v4;
	_ =	sdelay $0x3  }
0x32: {  	v3 =	vperm.xlane v3, v2  }
0x33: {  	[tilespmem:s13], [sflag:$0x1] =	stream.indirect_vreg.gather [hbm4b:s3+s2], $0x80, v4, vm0, $0xb8;
	[tilespmem:$0xC080] =	vst v63  }
0x34: {  	v3 =	vadd.s32 v1, v3  }
0x35: {  	[tilespmem:s14], [sflag:$0x1] =	stream.indirect_vreg.gather [hbm4b:s4+s2], $0x80, v4, vm0, $0xb8;
	[tilespmem:$0xC080] =	vst v63  }
0x36: {  	_ = 	snop  }
0x37: {  	[tilespmem:s15], [sflag:$0x1] =	stream.indirect_vreg.gather [hbm4b:s5+s2], $0x80, v4, vm0, $0xb8;
	[tilespmem:$0xC080] =	vst v63  }
0x38: {  	_ = 	snop  }
0x39: {  	[tilespmem:s16], [sflag:$0x1] =	stream.indirect_vreg.gather [hbm4b:s3+s2], $0x80, v3, vm0, $0xb8;
	[tilespmem:$0xC080] =	vst v63  }
0x3a: {  	_ = 	snop  }
0x3b: {  	[tilespmem:s17], [sflag:$0x1] =	stream.indirect_vreg.gather [hbm4b:s4+s2], $0x80, v3, vm0, $0xb8;
	[tilespmem:$0xC080] =	vst v63  }
0x3c: {  	_ = 	snop  }
0x3d: {  	[tilespmem:s18], [sflag:$0x1] =	stream.indirect_vreg.gather [hbm4b:s5+s2], $0x80, v3, vm0, $0xb8;
	[tilespmem:$0xC080] =	vst v63  }
0x3e: {  	v3 =	vld [tilespmem:$0x20];
	_ =	sdelay $0x4  }
0x3f: {  	v62 =	vshrl.u32 v3, $0x3  }
0x40: {  	v4 =	vmul.u32 $0x30, v62  }
0x41: {  	v3 =	vand.u32 $0x7, v3  }
0x42: {  	v3 =	vor.u32 v3, v4  }
0x43: {  	v4 =	vperm.xlane v3, v0;
	_ =	sdelay $0x1  }
0x44: {  	v4 =	vadd.s32 v1, v4;
	_ =	sdelay $0x3  }
0x45: {  	v3 =	vperm.xlane v3, v2  }
0x46: {  	[tilespmem:s19], [sflag:$0x1] =	stream.indirect_vreg.gather [hbm4b:s3+s2], $0x80, v4, vm0, $0xb8;
	[tilespmem:$0xC080] =	vst v63  }
0x47: {  	v3 =	vadd.s32 v1, v3  }
0x48: {  	[tilespmem:s20], [sflag:$0x1] =	stream.indirect_vreg.gather [hbm4b:s4+s2], $0x80, v4, vm0, $0xb8;
	[tilespmem:$0xC080] =	vst v63  }
0x49: {  	_ = 	snop  }
0x4a: {  	[tilespmem:s21], [sflag:$0x1] =	stream.indirect_vreg.gather [hbm4b:s5+s2], $0x80, v4, vm0, $0xb8;
	[tilespmem:$0xC080] =	vst v63  }
0x4b: {  	_ = 	snop  }
0x4c: {  	[tilespmem:s22], [sflag:$0x1] =	stream.indirect_vreg.gather [hbm4b:s3+s2], $0x80, v3, vm0, $0xb8;
	[tilespmem:$0xC080] =	vst v63  }
0x4d: {  	_ = 	snop  }
0x4e: {  	[tilespmem:s23], [sflag:$0x1] =	stream.indirect_vreg.gather [hbm4b:s4+s2], $0x80, v3, vm0, $0xb8;
	[tilespmem:$0xC080] =	vst v63  }
0x4f: {  	_ = 	snop  }
0x50: {  	[tilespmem:s24], [sflag:$0x1] =	stream.indirect_vreg.gather [hbm4b:s5+s2], $0x80, v3, vm0, $0xb8;
	[tilespmem:$0xC080] =	vst v63  }
0x51: {  	v3 =	vld [tilespmem:$0x30];
	_ =	sdelay $0x4  }
0x52: {  	v63 =	vshrl.u32 v3, $0x3  }
0x53: {  	v4 =	vmul.u32 $0x30, v63  }
0x54: {  	v3 =	vand.u32 $0x7, v3  }
0x55: {  	v3 =	vor.u32 v3, v4  }
0x56: {  	v4 =	vperm.xlane v3, v0;
	_ =	sdelay $0x1  }
0x57: {  	v4 =	vadd.s32 v1, v4;
	_ =	sdelay $0x3  }
0x58: {  	v3 =	vperm.xlane v3, v2  }
0x59: {  	[tilespmem:s25], [sflag:$0x1] =	stream.indirect_vreg.gather [hbm4b:s3+s2], $0x80, v4, vm0, $0xb8;
	[tilespmem:$0xC080] =	vst v63  }
0x5a: {  	v3 =	vadd.s32 v1, v3  }
0x5b: {  	[tilespmem:s26], [sflag:$0x1] =	stream.indirect_vreg.gather [hbm4b:s4+s2], $0x80, v4, vm0, $0xb8;
	[tilespmem:$0xC080] =	vst v63  }
0x5c: {  	_ = 	snop  }
0x5d: {  	[tilespmem:s28], [sflag:$0x1] =	stream.indirect_vreg.gather [hbm4b:s5+s2], $0x80, v4, vm0, $0xb8;
	[tilespmem:$0xC080] =	vst v63  }
0x5e: {  	_ = 	snop  }
0x5f: {  	[tilespmem:s29], [sflag:$0x1] =	stream.indirect_vreg.gather [hbm4b:s3+s2], $0x80, v3, vm0, $0xb8;
	[tilespmem:$0xC080] =	vst v63  }
0x60: {  	_ = 	snop  }
0x61: {  	[tilespmem:s30], [sflag:$0x1] =	stream.indirect_vreg.gather [hbm4b:s4+s2], $0x80, v3, vm0, $0xb8;
	[tilespmem:$0xC080] =	vst v63  }
0x62: {  	_ = 	snop  }
0x63: {  	[tilespmem:s31], [sflag:$0x1] =	stream.indirect_vreg.gather [hbm4b:s5+s2], $0x80, v3, vm0, $0xb8;
	[tilespmem:$0xC080] =	vst v63  }
0x64: {  	_ =	swait.ge [sflag:s0], $0xC000  }
0x65: {  	p0 =	sne.s32 s6, $0x1;
	[sflag:s0] =	ssyncset.done $0x0  }
.Ltmp0:
0x66: {  	s1 =	rddreg [dreg:$0x4];
	[sflag:s0] =	ssyncadd.s32 $0xFFFF4000;
	(pc) =	sbr.rel @p0 .LBB2_1-.Ltmp0, $4  }
0x67: {  	[hbm4b:s1+s2] =	stream.linear.scatter [tilespmem:s8], [sflag:$0x2], $0xC000, $0x38;
	[tilespmem:$0xC080] =	vst v63  }
0x68: {  	_ =	swait.ge [sflag:s7], $0xC000  }
0x69: {  	[sflag:s7] =	ssyncset.done $0x0  }
0x6a: {  	s6 =	sadd.s32 $0xFFFFFFFF, s6;
	[sflag:s7] =	ssyncadd.s32 $0xFFFF4000  }
0x6b: {  	_ =	sfence.sel $0x180000  }
0x6c: {  	[bflag:$0x0] =	sbarrier.arrive $0xFFFF  }
0x6d: {  	_ =	strace $0x90000050  }
0x6e: {  	s0 =	stileid.u32;
	[bflag:$0x2] =	sbarrier.arrive $0xFFFF  }
0x6f: {  	p0 =	sne.s32 s0, $0x0;
	s0 =	rddreg [dreg:$0x2]  }
0x70: {  	s0 =	sadd.s32 @!p0 $0x100000, s0  }
0x71: {  	[sflag:s0] =	ssyncadd.tile.s32 @!p0 $0x1;
	_ =	shalt  }
.Lfunc_end2:
_tile_overlayer_lowered:
.L_overlay_start_2:
0x72: {  	(tag) =	ssettag $0x2  }
0x73: {  	s0 =	rddreg [dreg:$0x0];
	s2 =	stileid.u32  }
0x74: {  	s1 =	rddreg [dreg:$0x1];
	p0 =	sne.s32 s2, $0x0  }
0x75: {  	s3 =	rddreg [dreg:$0x2];
	[bflag:$0x3] =	sbarrier.arrive $0xFFFF;
	s2 =	simm.s32 @!p0 $0x1C02  }
0x76: {  	[timem:s3], [sflag:s2] =	dma.local @!p0 [hbm:s0], s1  }
0x77: {  	s0 =	simm.s32 @!p0 $0x2  }
0x78: {  	_ =	swait.ge @!p0 [sflag:s0], s1  }
0x79: {  	s1 =	ssub.s32 @!p0 $0x0, s1;
	[sflag:s0] =	ssyncset.done @!p0 $0x0  }
0x7a: {  	[sflag:s0] =	ssyncadd.s32 @!p0 s1  }
0x7b: {  	[bflag:$0x3] =	sbarrier.arrive $0xFFFF  }
0x7c: {  	_ =	shalt  }

</sc_bundles>
